<compile_context>
chip_gen: v7x
topology: tpu7x:2x2x1
jax: 0.10.2.dev20260603
libtpu: 0.0.44.dev20260713+nightly
codegen_flags: <defaults>
</compile_context>

<pallas_src>
import jax
import jax.numpy as jnp
from jax import lax
from jax.experimental import pallas as pl
from jax.experimental.pallas import tpu as pltpu
from jax.experimental.pallas import tpu_sc as plsc

B = 16384
D = 64
L = 16
NW = 32
BPW = B // NW
NBUF = 8
OCH = 256


def _body(tabT, ids, t, w, bias, outv, idx_v, t_v, o_row, w_v, b1_v, bufs, sems):
    wid = lax.axis_index("s") * 2 + lax.axis_index("c")
    base = wid * BPW
    pltpu.sync_copy(ids.at[pl.ds(base, BPW)], idx_v)
    pltpu.sync_copy(t.at[pl.ds(base, BPW)], t_v)
    pltpu.sync_copy(w, w_v)
    pltpu.sync_copy(bias, b1_v)

    w_c = [w_v[pl.ds(c * L, L)] for c in range(4)]
    b1_c = [b1_v[pl.ds(c * L, L)] + 1.0 for c in range(4)]
    iota = lax.iota(jnp.int32, L)
    rows_c = [c * L + iota for c in range(4)]

    def issue_from(cvec, off, slot):
        col0 = pl.multiple_of(cvec[off], 128)
        pltpu.async_copy(tabT.at[:, pl.ds(col0, 128)], bufs[slot], sems[slot])

    v0 = idx_v[pl.ds(0, L)]
    c0vec = (v0 >> 7) << 7
    for j0 in range(NBUF):
        issue_from(c0vec, j0, j0)

    def blk(n, carry):
        v = idx_v[pl.ds(n * L, L)]
        t_blk = t_v[pl.ds(n * L, L)]
        lane_vec = v & 127
        col_vec = (v >> 7) << 7
        nn = jnp.minimum(n + 1, BPW // L - 1)
        vn = idx_v[pl.ds(nn * L, L)]
        coln_vec = (vn >> 7) << 7
        for j in range(L):
            slot = j % NBUF
            pltpu.make_async_copy(tabT.at[:, pl.ds(0, 128)], bufs[slot],
                                  sems[slot]).wait()
            cols = jnp.broadcast_to(lane_vec[j], (L,))
            t_k = t_blk[j]
            orow = (n % 16) * L + j
            for c in range(4):
                g = plsc.load_gather(bufs[slot], [rows_c[c], cols])
                o_row[orow, pl.ds(c * L, L)] = g * (t_k * w_c[c] + b1_c[c])
            if j < L - NBUF:
                issue_from(col_vec, j + NBUF, slot)
            else:
                @pl.when(n + 1 < BPW // L)
                def _():
                    issue_from(coln_vec, (j + NBUF) % L, slot)
        @pl.when(n % 16 == 15)
        def _():
            pltpu.sync_copy(o_row, outv.at[pl.ds(base + (n // 16) * OCH, OCH)])
        return carry

    lax.fori_loop(0, BPW // L, blk, 0)


@jax.jit
def _tpe(tabT, ids, t, w, bias):
    mesh = plsc.VectorSubcoreMesh(core_axis_name="c", subcore_axis_name="s")
    return pl.kernel(
        _body,
        out_type=jax.ShapeDtypeStruct((B, D), jnp.float32),
        mesh=mesh,
        scratch_types=[
            pltpu.VMEM((BPW,), jnp.int32),
            pltpu.VMEM((BPW,), jnp.float32),
            pltpu.VMEM((OCH, D), jnp.float32),
            pltpu.VMEM((D,), jnp.float32),
            pltpu.VMEM((D,), jnp.float32),
            [pltpu.VMEM((D, 128), jnp.float32) for _ in range(NBUF)],
            [pltpu.SemaphoreType.DMA for _ in range(NBUF)],
        ],
        compiler_params=pltpu.CompilerParams(needs_layout_passes=False),
    )(tabT, ids, t, w, bias)


def kernel(node_memories, node_ids, node_time_intervals, W, b):
    tabT = jnp.swapaxes(node_memories, 0, 1)
    return _tpe(tabT, node_ids.astype(jnp.int32), node_time_intervals, W, b)

# --- scband reference (transcript-rebuilt; emitter-appended) ---
"""Pipeline reference for scband-time-projection-embedding-146028888473 (READ-ONLY COPY).

The authoritative reference and input builder live on the scoring server;
editing this copy changes nothing except your own understanding.
"""

import jax, jax.numpy as jnp
import numpy as np

NUM_NODES = 1000000
MEMORY_DIM = 64
BATCH = 16384

def setup_inputs(seed: int = 0) -> dict:
    key = jax.random.key(seed)
    k1, k2, k3, k4, k5 = jax.random.split(key, 5)
    node_memories = jax.random.normal(k1, (NUM_NODES, MEMORY_DIM), dtype=jnp.float32)
    node_ids = jax.random.randint(k2, (BATCH,), 0, NUM_NODES)
    node_time_intervals = jax.random.uniform(k3, (BATCH,), dtype=jnp.float32)
    # nn.Linear(1, memory_dim): weight (memory_dim, 1) -> flattened to (memory_dim,), bias (memory_dim,)
    W = jax.random.normal(k4, (MEMORY_DIM,), dtype=jnp.float32) * 0.1
    b = jax.random.normal(k5, (MEMORY_DIM,), dtype=jnp.float32) * 0.1
    return {"node_memories": node_memories, "node_ids": node_ids, "node_time_intervals": node_time_intervals, "W": W, "b": b}

def reference(node_memories, node_ids, node_time_intervals, W, b):
    # linear_layer(node_time_intervals.unsqueeze(1)): (B,1) @ (1,D) + (D,) -> (B,D)
    proj = node_time_intervals[:, None] * W[None, :] + b[None, :]
    # node_memories[node_ids] * (1 + proj); dropout is identity in eval mode
    gathered = jnp.take(node_memories, node_ids, axis=0)
    return gathered * (1.0 + proj)

if __name__ == "__main__":
    import jax
    _d = setup_inputs()
    print(jax.jit(kernel)(*tuple(_d.values())))

</pallas_src>

<mosaic_0001>
#map = affine_map<(d0, d1) -> (0, 0)>
#map1 = affine_map<(d0, d1) -> (0)>
module attributes {stable_mosaic.version = 14 : i64} {
  func.func @_body(%arg0: i32, %arg1: i32, %arg2: memref<64x1000000xf32, #tpu.memory_space<hbm>>, %arg3: memref<16384xi32, #tpu.memory_space<hbm>>, %arg4: memref<16384xf32, #tpu.memory_space<hbm>>, %arg5: memref<64xf32, #tpu.memory_space<hbm>>, %arg6: memref<64xf32, #tpu.memory_space<hbm>>, %arg7: memref<16384x64xf32, #tpu.memory_space<hbm>>, %arg8: memref<512xi32, #tpu.memory_space<vmem>>, %arg9: memref<512xf32, #tpu.memory_space<vmem>>, %arg10: memref<256x64xf32, #tpu.memory_space<vmem>>, %arg11: memref<64xf32, #tpu.memory_space<vmem>>, %arg12: memref<64xf32, #tpu.memory_space<vmem>>, %arg13: memref<64x128xf32, #tpu.memory_space<vmem>>, %arg14: memref<64x128xf32, #tpu.memory_space<vmem>>, %arg15: memref<64x128xf32, #tpu.memory_space<vmem>>, %arg16: memref<64x128xf32, #tpu.memory_space<vmem>>, %arg17: memref<64x128xf32, #tpu.memory_space<vmem>>, %arg18: memref<64x128xf32, #tpu.memory_space<vmem>>, %arg19: memref<64x128xf32, #tpu.memory_space<vmem>>, %arg20: memref<64x128xf32, #tpu.memory_space<vmem>>, %arg21: memref<!tpu.dma_semaphore, #tpu.memory_space<semaphore_mem>>, %arg22: memref<!tpu.dma_semaphore, #tpu.memory_space<semaphore_mem>>, %arg23: memref<!tpu.dma_semaphore, #tpu.memory_space<semaphore_mem>>, %arg24: memref<!tpu.dma_semaphore, #tpu.memory_space<semaphore_mem>>, %arg25: memref<!tpu.dma_semaphore, #tpu.memory_space<semaphore_mem>>, %arg26: memref<!tpu.dma_semaphore, #tpu.memory_space<semaphore_mem>>, %arg27: memref<!tpu.dma_semaphore, #tpu.memory_space<semaphore_mem>>, %arg28: memref<!tpu.dma_semaphore, #tpu.memory_space<semaphore_mem>>) attributes {dimension_semantics = [#tpu.dimension_semantics<core_parallel>, #tpu.dimension_semantics<subcore_parallel>], iteration_bounds = array<i64: 2, 16>, scalar_prefetch = 0 : i64, scratch_operands = 21 : i64, tpu.core_type = #tpu.core_type<sc_vector_subcore>, window_params = [{transform_indices = #map}, {transform_indices = #map1}, {transform_indices = #map1}, {transform_indices = #map1}, {transform_indices = #map1}, {transform_indices = #map}]} {
    %mul3A = arith.constant 2 : i32
    %mul3A_0 = arith.muli %arg1, %mul3A : i32
    %add3A = arith.addi %mul3A_0, %arg0 : i32
    %mul3A_1 = arith.constant 512 : i32
    %mul3A_2 = arith.muli %add3A, %mul3A_1 : i32
    "tpu.region"() ({
      %run_scoped3A = tpu.sem_alloc : memref<!tpu.dma_semaphore, #tpu.memory_space<semaphore_mem>>
      %dma_start3A_105 = tpu.memref_slice %arg3[%mul3A_2] : memref<16384xi32, #tpu.memory_space<hbm>> -> memref<512xi32, #tpu.memory_space<hbm>>
      %dma_start3A_106 = tpu.memref_slice %arg3[%mul3A_2] : memref<16384xi32, #tpu.memory_space<hbm>> -> memref<512xi32, #tpu.memory_space<hbm>>
      tpu.enqueue_dma source(%dma_start3A_106 : memref<512xi32, #tpu.memory_space<hbm>>) target(%arg8 : memref<512xi32, #tpu.memory_space<vmem>>) target_semaphore(%run_scoped3A : memref<!tpu.dma_semaphore, #tpu.memory_space<semaphore_mem>>)
      %dma_wait3A = tpu.memref_slice %arg3[%mul3A_2] : memref<16384xi32, #tpu.memory_space<hbm>> -> memref<512xi32, #tpu.memory_space<hbm>>
      %dma_wait3A_107 = tpu.memref_slice %arg3[%mul3A_2] : memref<16384xi32, #tpu.memory_space<hbm>> -> memref<512xi32, #tpu.memory_space<hbm>>
      tpu.wait_dma2 semaphore(%run_scoped3A : memref<!tpu.dma_semaphore, #tpu.memory_space<semaphore_mem>>) src(%dma_wait3A_107 : memref<512xi32, #tpu.memory_space<hbm>>) dst(%arg8 : memref<512xi32, #tpu.memory_space<vmem>>)
      tpu.yield
    }) : () -> ()
    "tpu.region"() ({
      %run_scoped3A = tpu.sem_alloc : memref<!tpu.dma_semaphore, #tpu.memory_space<semaphore_mem>>
      %dma_start3A_105 = tpu.memref_slice %arg4[%mul3A_2] : memref<16384xf32, #tpu.memory_space<hbm>> -> memref<512xf32, #tpu.memory_space<hbm>>
      %dma_start3A_106 = tpu.memref_slice %arg4[%mul3A_2] : memref<16384xf32, #tpu.memory_space<hbm>> -> memref<512xf32, #tpu.memory_space<hbm>>
      tpu.enqueue_dma source(%dma_start3A_106 : memref<512xf32, #tpu.memory_space<hbm>>) target(%arg9 : memref<512xf32, #tpu.memory_space<vmem>>) target_semaphore(%run_scoped3A : memref<!tpu.dma_semaphore, #tpu.memory_space<semaphore_mem>>)
      %dma_wait3A = tpu.memref_slice %arg4[%mul3A_2] : memref<16384xf32, #tpu.memory_space<hbm>> -> memref<512xf32, #tpu.memory_space<hbm>>
      %dma_wait3A_107 = tpu.memref_slice %arg4[%mul3A_2] : memref<16384xf32, #tpu.memory_space<hbm>> -> memref<512xf32, #tpu.memory_space<hbm>>
      tpu.wait_dma2 semaphore(%run_scoped3A : memref<!tpu.dma_semaphore, #tpu.memory_space<semaphore_mem>>) src(%dma_wait3A_107 : memref<512xf32, #tpu.memory_space<hbm>>) dst(%arg9 : memref<512xf32, #tpu.memory_space<vmem>>)
      tpu.yield
    }) : () -> ()
    "tpu.region"() ({
      %run_scoped3A = tpu.sem_alloc : memref<!tpu.dma_semaphore, #tpu.memory_space<semaphore_mem>>
      tpu.enqueue_dma source(%arg5 : memref<64xf32, #tpu.memory_space<hbm>>) target(%arg11 : memref<64xf32, #tpu.memory_space<vmem>>) target_semaphore(%run_scoped3A : memref<!tpu.dma_semaphore, #tpu.memory_space<semaphore_mem>>)
      tpu.wait_dma2 semaphore(%run_scoped3A : memref<!tpu.dma_semaphore, #tpu.memory_space<semaphore_mem>>) src(%arg5 : memref<64xf32, #tpu.memory_space<hbm>>) dst(%arg11 : memref<64xf32, #tpu.memory_space<vmem>>)
      tpu.yield
    }) : () -> ()
    "tpu.region"() ({
      %run_scoped3A = tpu.sem_alloc : memref<!tpu.dma_semaphore, #tpu.memory_space<semaphore_mem>>
      tpu.enqueue_dma source(%arg6 : memref<64xf32, #tpu.memory_space<hbm>>) target(%arg12 : memref<64xf32, #tpu.memory_space<vmem>>) target_semaphore(%run_scoped3A : memref<!tpu.dma_semaphore, #tpu.memory_space<semaphore_mem>>)
      tpu.wait_dma2 semaphore(%run_scoped3A : memref<!tpu.dma_semaphore, #tpu.memory_space<semaphore_mem>>) src(%arg6 : memref<64xf32, #tpu.memory_space<hbm>>) dst(%arg12 : memref<64xf32, #tpu.memory_space<vmem>>)
      tpu.yield
    }) : () -> ()
    %get3A = arith.constant 0 : index
    %get3A_3 = tpu.vector_load %arg11[%get3A] {strides = array<i32>} : memref<64xf32, #tpu.memory_space<vmem>>, vector<16xf32>,
    %get3A_4 = arith.constant 16 : index
    %get3A_5 = tpu.vector_load %arg11[%get3A_4] {strides = array<i32>} : memref<64xf32, #tpu.memory_space<vmem>>, vector<16xf32>,
    %get3A_6 = arith.constant 32 : index
    %get3A_7 = tpu.vector_load %arg11[%get3A_6] {strides = array<i32>} : memref<64xf32, #tpu.memory_space<vmem>>, vector<16xf32>,
    %get3A_8 = arith.constant 48 : index
    %get3A_9 = tpu.vector_load %arg11[%get3A_8] {strides = array<i32>} : memref<64xf32, #tpu.memory_space<vmem>>, vector<16xf32>,
    %get3A_10 = arith.constant 0 : index
    %get3A_11 = tpu.vector_load %arg12[%get3A_10] {strides = array<i32>} : memref<64xf32, #tpu.memory_space<vmem>>, vector<16xf32>,
    %add3A_12 = arith.constant 1.000000e+00 : f32
    %add3A_13 = vector.broadcast %add3A_12 : f32 to vector<16xf32>
    %add3A_14 = arith.addf %get3A_11, %add3A_13 : vector<16xf32>
    %get3A_15 = arith.constant 16 : index
    %get3A_16 = tpu.vector_load %arg12[%get3A_15] {strides = array<i32>} : memref<64xf32, #tpu.memory_space<vmem>>, vector<16xf32>,
    %add3A_17 = arith.constant 1.000000e+00 : f32
    %add3A_18 = vector.broadcast %add3A_17 : f32 to vector<16xf32>
    %add3A_19 = arith.addf %get3A_16, %add3A_18 : vector<16xf32>
    %get3A_20 = arith.constant 32 : index
    %get3A_21 = tpu.vector_load %arg12[%get3A_20] {strides = array<i32>} : memref<64xf32, #tpu.memory_space<vmem>>, vector<16xf32>,
    %add3A_22 = arith.constant 1.000000e+00 : f32
    %add3A_23 = vector.broadcast %add3A_22 : f32 to vector<16xf32>
    %add3A_24 = arith.addf %get3A_21, %add3A_23 : vector<16xf32>
    %get3A_25 = arith.constant 48 : index
    %get3A_26 = tpu.vector_load %arg12[%get3A_25] {strides = array<i32>} : memref<64xf32, #tpu.memory_space<vmem>>, vector<16xf32>,
    %add3A_27 = arith.constant 1.000000e+00 : f32
    %add3A_28 = vector.broadcast %add3A_27 : f32 to vector<16xf32>
    %add3A_29 = arith.addf %get3A_26, %add3A_28 : vector<16xf32>
    %iota3A = tpu.iota {dimensions = array<i32: 0>} : vector<16xi32>
    %add3A_30 = arith.constant 0 : i32
    %add3A_31 = vector.broadcast %add3A_30 : i32 to vector<16xi32>
    %add3A_32 = arith.addi %add3A_31, %iota3A : vector<16xi32>
    %add3A_33 = arith.constant 16 : i32
    %add3A_34 = vector.broadcast %add3A_33 : i32 to vector<16xi32>
    %add3A_35 = arith.addi %add3A_34, %iota3A : vector<16xi32>
    %add3A_36 = arith.constant 32 : i32
    %add3A_37 = vector.broadcast %add3A_36 : i32 to vector<16xi32>
    %add3A_38 = arith.addi %add3A_37, %iota3A : vector<16xi32>
    %add3A_39 = arith.constant 48 : i32
    %add3A_40 = vector.broadcast %add3A_39 : i32 to vector<16xi32>
    %add3A_41 = arith.addi %add3A_40, %iota3A : vector<16xi32>
    %get3A_42 = arith.constant 0 : index
    %get3A_43 = tpu.vector_load %arg8[%get3A_42] {strides = array<i32>} : memref<512xi32, #tpu.memory_space<vmem>>, vector<16xi32>,
    %shift_right_arithmetic3A = arith.constant 7 : i32
    %shift_right_arithmetic3A_44 = vector.broadcast %shift_right_arithmetic3A : i32 to vector<16xi32>
    %shift_right_arithmetic3A_45 = arith.shrsi %get3A_43, %shift_right_arithmetic3A_44 : vector<16xi32>
    %shift_left3A = arith.constant 7 : i32
    %shift_left3A_46 = vector.broadcast %shift_left3A : i32 to vector<16xi32>
    %shift_left3A_47 = arith.shli %shift_right_arithmetic3A_45, %shift_left3A_46 : vector<16xi32>
    %slice3A = vector.extract_strided_slice %shift_left3A_47 {offsets = [0], sizes = [1], strides = [1]} : vector<16xi32> to vector<1xi32>
    %squeeze3A = vector.extract %slice3A[0] : i32 from vector<1xi32>
    %multiple_of3A = tpu.assume_multiple %squeeze3A, 128 : i32
    %dma_start3A = arith.constant 0 : i32
    %dma_start3A_48 = tpu.memref_slice %arg2[%dma_start3A, %multiple_of3A] : memref<64x1000000xf32, #tpu.memory_space<hbm>> -> memref<64x128xf32, #tpu.memory_space<hbm>>
    %dma_start3A_49 = arith.constant 0 : i32
    %dma_start3A_50 = tpu.memref_slice %arg2[%dma_start3A_49, %multiple_of3A] : memref<64x1000000xf32, #tpu.memory_space<hbm>> -> memref<64x128xf32, #tpu.memory_space<hbm>>
    tpu.enqueue_dma source(%dma_start3A_50 : memref<64x128xf32, #tpu.memory_space<hbm>>) target(%arg13 : memref<64x128xf32, #tpu.memory_space<vmem>>) target_semaphore(%arg21 : memref<!tpu.dma_semaphore, #tpu.memory_space<semaphore_mem>>)
    %slice3A_51 = vector.extract_strided_slice %shift_left3A_47 {offsets = [1], sizes = [1], strides = [1]} : vector<16xi32> to vector<1xi32>
    %squeeze3A_52 = vector.extract %slice3A_51[0] : i32 from vector<1xi32>
    %multiple_of3A_53 = tpu.assume_multiple %squeeze3A_52, 128 : i32
    %dma_start3A_54 = arith.constant 0 : i32
    %dma_start3A_55 = tpu.memref_slice %arg2[%dma_start3A_54, %multiple_of3A_53] : memref<64x1000000xf32, #tpu.memory_space<hbm>> -> memref<64x128xf32, #tpu.memory_space<hbm>>
    %dma_start3A_56 = arith.constant 0 : i32
    %dma_start3A_57 = tpu.memref_slice %arg2[%dma_start3A_56, %multiple_of3A_53] : memref<64x1000000xf32, #tpu.memory_space<hbm>> -> memref<64x128xf32, #tpu.memory_space<hbm>>
    tpu.enqueue_dma source(%dma_start3A_57 : memref<64x128xf32, #tpu.memory_space<hbm>>) target(%arg14 : memref<64x128xf32, #tpu.memory_space<vmem>>) target_semaphore(%arg22 : memref<!tpu.dma_semaphore, #tpu.memory_space<semaphore_mem>>)
    %slice3A_58 = vector.extract_strided_slice %shift_left3A_47 {offsets = [2], sizes = [1], strides = [1]} : vector<16xi32> to vector<1xi32>
    %squeeze3A_59 = vector.extract %slice3A_58[0] : i32 from vector<1xi32>
    %multiple_of3A_60 = tpu.assume_multiple %squeeze3A_59, 128 : i32
    %dma_start3A_61 = arith.constant 0 : i32
    %dma_start3A_62 = tpu.memref_slice %arg2[%dma_start3A_61, %multiple_of3A_60] : memref<64x1000000xf32, #tpu.memory_space<hbm>> -> memref<64x128xf32, #tpu.memory_space<hbm>>
    %dma_start3A_63 = arith.constant 0 : i32
    %dma_start3A_64 = tpu.memref_slice %arg2[%dma_start3A_63, %multiple_of3A_60] : memref<64x1000000xf32, #tpu.memory_space<hbm>> -> memref<64x128xf32, #tpu.memory_space<hbm>>
    tpu.enqueue_dma source(%dma_start3A_64 : memref<64x128xf32, #tpu.memory_space<hbm>>) target(%arg15 : memref<64x128xf32, #tpu.memory_space<vmem>>) target_semaphore(%arg23 : memref<!tpu.dma_semaphore, #tpu.memory_space<semaphore_mem>>)
    %slice3A_65 = vector.extract_strided_slice %shift_left3A_47 {offsets = [3], sizes = [1], strides = [1]} : vector<16xi32> to vector<1xi32>
    %squeeze3A_66 = vector.extract %slice3A_65[0] : i32 from vector<1xi32>
    %multiple_of3A_67 = tpu.assume_multiple %squeeze3A_66, 128 : i32
    %dma_start3A_68 = arith.constant 0 : i32
    %dma_start3A_69 = tpu.memref_slice %arg2[%dma_start3A_68, %multiple_of3A_67] : memref<64x1000000xf32, #tpu.memory_space<hbm>> -> memref<64x128xf32, #tpu.memory_space<hbm>>
    %dma_start3A_70 = arith.constant 0 : i32
    %dma_start3A_71 = tpu.memref_slice %arg2[%dma_start3A_70, %multiple_of3A_67] : memref<64x1000000xf32, #tpu.memory_space<hbm>> -> memref<64x128xf32, #tpu.memory_space<hbm>>
    tpu.enqueue_dma source(%dma_start3A_71 : memref<64x128xf32, #tpu.memory_space<hbm>>) target(%arg16 : memref<64x128xf32, #tpu.memory_space<vmem>>) target_semaphore(%arg24 : memref<!tpu.dma_semaphore, #tpu.memory_space<semaphore_mem>>)
    %slice3A_72 = vector.extract_strided_slice %shift_left3A_47 {offsets = [4], sizes = [1], strides = [1]} : vector<16xi32> to vector<1xi32>
    %squeeze3A_73 = vector.extract %slice3A_72[0] : i32 from vector<1xi32>
    %multiple_of3A_74 = tpu.assume_multiple %squeeze3A_73, 128 : i32
    %dma_start3A_75 = arith.constant 0 : i32
    %dma_start3A_76 = tpu.memref_slice %arg2[%dma_start3A_75, %multiple_of3A_74] : memref<64x1000000xf32, #tpu.memory_space<hbm>> -> memref<64x128xf32, #tpu.memory_space<hbm>>
    %dma_start3A_77 = arith.constant 0 : i32
    %dma_start3A_78 = tpu.memref_slice %arg2[%dma_start3A_77, %multiple_of3A_74] : memref<64x1000000xf32, #tpu.memory_space<hbm>> -> memref<64x128xf32, #tpu.memory_space<hbm>>
    tpu.enqueue_dma source(%dma_start3A_78 : memref<64x128xf32, #tpu.memory_space<hbm>>) target(%arg17 : memref<64x128xf32, #tpu.memory_space<vmem>>) target_semaphore(%arg25 : memref<!tpu.dma_semaphore, #tpu.memory_space<semaphore_mem>>)
    %slice3A_79 = vector.extract_strided_slice %shift_left3A_47 {offsets = [5], sizes = [1], strides = [1]} : vector<16xi32> to vector<1xi32>
    %squeeze3A_80 = vector.extract %slice3A_79[0] : i32 from vector<1xi32>
    %multiple_of3A_81 = tpu.assume_multiple %squeeze3A_80, 128 : i32
    %dma_start3A_82 = arith.constant 0 : i32
    %dma_start3A_83 = tpu.memref_slice %arg2[%dma_start3A_82, %multiple_of3A_81] : memref<64x1000000xf32, #tpu.memory_space<hbm>> -> memref<64x128xf32, #tpu.memory_space<hbm>>
    %dma_start3A_84 = arith.constant 0 : i32
    %dma_start3A_85 = tpu.memref_slice %arg2[%dma_start3A_84, %multiple_of3A_81] : memref<64x1000000xf32, #tpu.memory_space<hbm>> -> memref<64x128xf32, #tpu.memory_space<hbm>>
    tpu.enqueue_dma source(%dma_start3A_85 : memref<64x128xf32, #tpu.memory_space<hbm>>) target(%arg18 : memref<64x128xf32, #tpu.memory_space<vmem>>) target_semaphore(%arg26 : memref<!tpu.dma_semaphore, #tpu.memory_space<semaphore_mem>>)
    %slice3A_86 = vector.extract_strided_slice %shift_left3A_47 {offsets = [6], sizes = [1], strides = [1]} : vector<16xi32> to vector<1xi32>
    %squeeze3A_87 = vector.extract %slice3A_86[0] : i32 from vector<1xi32>
    %multiple_of3A_88 = tpu.assume_multiple %squeeze3A_87, 128 : i32
    %dma_start3A_89 = arith.constant 0 : i32
    %dma_start3A_90 = tpu.memref_slice %arg2[%dma_start3A_89, %multiple_of3A_88] : memref<64x1000000xf32, #tpu.memory_space<hbm>> -> memref<64x128xf32, #tpu.memory_space<hbm>>
    %dma_start3A_91 = arith.constant 0 : i32
    %dma_start3A_92 = tpu.memref_slice %arg2[%dma_start3A_91, %multiple_of3A_88] : memref<64x1000000xf32, #tpu.memory_space<hbm>> -> memref<64x128xf32, #tpu.memory_space<hbm>>
    tpu.enqueue_dma source(%dma_start3A_92 : memref<64x128xf32, #tpu.memory_space<hbm>>) target(%arg19 : memref<64x128xf32, #tpu.memory_space<vmem>>) target_semaphore(%arg27 : memref<!tpu.dma_semaphore, #tpu.memory_space<semaphore_mem>>)
    %slice3A_93 = vector.extract_strided_slice %shift_left3A_47 {offsets = [7], sizes = [1], strides = [1]} : vector<16xi32> to vector<1xi32>
    %squeeze3A_94 = vector.extract %slice3A_93[0] : i32 from vector<1xi32>
    %multiple_of3A_95 = tpu.assume_multiple %squeeze3A_94, 128 : i32
    %dma_start3A_96 = arith.constant 0 : i32
    %dma_start3A_97 = tpu.memref_slice %arg2[%dma_start3A_96, %multiple_of3A_95] : memref<64x1000000xf32, #tpu.memory_space<hbm>> -> memref<64x128xf32, #tpu.memory_space<hbm>>
    %dma_start3A_98 = arith.constant 0 : i32
    %dma_start3A_99 = tpu.memref_slice %arg2[%dma_start3A_98, %multiple_of3A_95] : memref<64x1000000xf32, #tpu.memory_space<hbm>> -> memref<64x128xf32, #tpu.memory_space<hbm>>
    tpu.enqueue_dma source(%dma_start3A_99 : memref<64x128xf32, #tpu.memory_space<hbm>>) target(%arg20 : memref<64x128xf32, #tpu.memory_space<vmem>>) target_semaphore(%arg28 : memref<!tpu.dma_semaphore, #tpu.memory_space<semaphore_mem>>)
    %scan3A = arith.constant 0 : i32
    %scan3A_100 = arith.constant 0 : i32
    %scan3A_101 = arith.constant 32 : i32
    %scan3A_102 = arith.addi %scan3A_100, %scan3A_101 : i32
    %scan3A_103 = arith.constant 1 : i32
    scf.for %scan3A_105 = %scan3A_100 to %scan3A_102 step %scan3A_103  : i32 {
      %mul3A_106 = arith.constant 16 : i32
      %mul3A_107 = arith.muli %scan3A_105, %mul3A_106 : i32
      %get3A_108 = arith.index_cast %mul3A_107 : i32 to index
      %get3A_109 = tpu.vector_load %arg8[%get3A_108] {strides = array<i32>} : memref<512xi32, #tpu.memory_space<vmem>>, vector<16xi32>,
      %mul3A_110 = arith.constant 16 : i32
      %mul3A_111 = arith.muli %scan3A_105, %mul3A_110 : i32
      %get3A_112 = arith.index_cast %mul3A_111 : i32 to index
      %get3A_113 = tpu.vector_load %arg9[%get3A_112] {strides = array<i32>} : memref<512xf32, #tpu.memory_space<vmem>>, vector<16xf32>,
      %and3A = arith.constant 127 : i32
      %and3A_114 = vector.broadcast %and3A : i32 to vector<16xi32>
      %and3A_115 = arith.andi %get3A_109, %and3A_114 : vector<16xi32>
      %shift_right_arithmetic3A_116 = arith.constant 7 : i32
      %shift_right_arithmetic3A_117 = vector.broadcast %shift_right_arithmetic3A_116 : i32 to vector<16xi32>
      %shift_right_arithmetic3A_118 = arith.shrsi %get3A_109, %shift_right_arithmetic3A_117 : vector<16xi32>
      %shift_left3A_119 = arith.constant 7 : i32
      %shift_left3A_120 = vector.broadcast %shift_left3A_119 : i32 to vector<16xi32>
      %shift_left3A_121 = arith.shli %shift_right_arithmetic3A_118, %shift_left3A_120 : vector<16xi32>
      %add3A_122 = arith.constant 1 : i32
      %add3A_123 = arith.addi %scan3A_105, %add3A_122 : i32
      %min3A = arith.constant 31 : i32
      %min3A_124 = arith.minsi %add3A_123, %min3A : i32
      %mul3A_125 = arith.constant 16 : i32
      %mul3A_126 = arith.muli %min3A_124, %mul3A_125 : i32
      %get3A_127 = arith.index_cast %mul3A_126 : i32 to index
      %get3A_128 = tpu.vector_load %arg8[%get3A_127] {strides = array<i32>} : memref<512xi32, #tpu.memory_space<vmem>>, vector<16xi32>,
      %shift_right_arithmetic3A_129 = arith.constant 7 : i32
      %shift_right_arithmetic3A_130 = vector.broadcast %shift_right_arithmetic3A_129 : i32 to vector<16xi32>
      %shift_right_arithmetic3A_131 = arith.shrsi %get3A_128, %shift_right_arithmetic3A_130 : vector<16xi32>
      %shift_left3A_132 = arith.constant 7 : i32
      %shift_left3A_133 = vector.broadcast %shift_left3A_132 : i32 to vector<16xi32>
      %shift_left3A_134 = arith.shli %shift_right_arithmetic3A_131, %shift_left3A_133 : vector<16xi32>
      %dma_wait3A = arith.constant 0 : i32
      %dma_wait3A_135 = arith.constant 0 : i32
      %dma_wait3A_136 = tpu.memref_slice %arg2[%dma_wait3A, %dma_wait3A_135] : memref<64x1000000xf32, #tpu.memory_space<hbm>> -> memref<64x128xf32, #tpu.memory_space<hbm>>
      %dma_wait3A_137 = arith.constant 0 : i32
      %dma_wait3A_138 = arith.constant 0 : i32
      %dma_wait3A_139 = tpu.memref_slice %arg2[%dma_wait3A_137, %dma_wait3A_138] : memref<64x1000000xf32, #tpu.memory_space<hbm>> -> memref<64x128xf32, #tpu.memory_space<hbm>>
      tpu.wait_dma2 semaphore(%arg21 : memref<!tpu.dma_semaphore, #tpu.memory_space<semaphore_mem>>) src(%dma_wait3A_139 : memref<64x128xf32, #tpu.memory_space<hbm>>) dst(%arg13 : memref<64x128xf32, #tpu.memory_space<vmem>>)
      %slice3A_140 = vector.extract_strided_slice %and3A_115 {offsets = [0], sizes = [1], strides = [1]} : vector<16xi32> to vector<1xi32>
      %squeeze3A_141 = vector.extract %slice3A_140[0] : i32 from vector<1xi32>
      %broadcast_in_dim3A = vector.broadcast %squeeze3A_141 : i32 to vector<16xi32>
      %slice3A_142 = vector.extract_strided_slice %get3A_113 {offsets = [0], sizes = [1], strides = [1]} : vector<16xf32> to vector<1xf32>
      %squeeze3A_143 = vector.extract %slice3A_142[0] : f32 from vector<1xf32>
      %jit3A = arith.constant 16 : i32
      %eq3A = arith.constant 0 : i32
      %eq3A_144 = arith.cmpi eq, %jit3A, %eq3A : i32
      %jit3A_145 = arith.constant 1 : i32
      %select_n3A = arith.select %eq3A_144, %jit3A_145, %jit3A : i32
      %rem3A = arith.remsi %scan3A_105, %select_n3A : i32
      %ne3A = arith.constant 0 : i32
      %ne3A_146 = arith.cmpi ne, %rem3A, %ne3A : i32
      %lt3A = arith.constant 0 : i32
      %lt3A_147 = arith.cmpi slt, %rem3A, %lt3A : i32
      %lt3A_148 = arith.constant 0 : i32
      %lt3A_149 = arith.cmpi slt, %select_n3A, %lt3A_148 : i32
      %ne3A_150 = arith.xori %lt3A_147, %lt3A_149 : i1
      %and3A_151 = arith.andi %ne3A_150, %ne3A_146 : i1
      %add3A_152 = arith.addi %rem3A, %select_n3A : i32
      %select_n3A_153 = arith.select %and3A_151, %add3A_152, %rem3A : i32
      %mul3A_154 = arith.constant 16 : i32
      %mul3A_155 = arith.muli %select_n3A_153, %mul3A_154 : i32
      %add3A_156 = arith.constant 0 : i32
      %add3A_157 = arith.addi %mul3A_155, %add3A_156 : i32
      %gather3A = tpu.vector_load_idx %arg13[%add3A_32, %broadcast_in_dim3A] : memref<64x128xf32, #tpu.memory_space<vmem>>[vector<16xi32>, vector<16xi32>], vector<16xf32>,
      %mul3A_158 = vector.broadcast %squeeze3A_143 : f32 to vector<16xf32>
      %mul3A_159 = arith.mulf %mul3A_158, %get3A_3 : vector<16xf32>
      %add3A_160 = arith.addf %mul3A_159, %add3A_14 : vector<16xf32>
      %mul3A_161 = arith.mulf %gather3A, %add3A_160 : vector<16xf32>
      %swap3A = arith.index_cast %add3A_157 : i32 to index
      %swap3A_162 = arith.constant 0 : index
      %swap3A_163 = tpu.vector_load %arg10[%swap3A, %swap3A_162] {strides = array<i32>} : memref<256x64xf32, #tpu.memory_space<vmem>>, vector<16xf32>,
      tpu.vector_store %arg10[%swap3A, %swap3A_162], %mul3A_161 {strides = array<i32>} : memref<256x64xf32, #tpu.memory_space<vmem>>, vector<16xf32>,
      %gather3A_164 = tpu.vector_load_idx %arg13[%add3A_35, %broadcast_in_dim3A] : memref<64x128xf32, #tpu.memory_space<vmem>>[vector<16xi32>, vector<16xi32>], vector<16xf32>,
      %mul3A_165 = vector.broadcast %squeeze3A_143 : f32 to vector<16xf32>
      %mul3A_166 = arith.mulf %mul3A_165, %get3A_5 : vector<16xf32>
      %add3A_167 = arith.addf %mul3A_166, %add3A_19 : vector<16xf32>
      %mul3A_168 = arith.mulf %gather3A_164, %add3A_167 : vector<16xf32>
      %swap3A_169 = arith.index_cast %add3A_157 : i32 to index
      %swap3A_170 = arith.constant 16 : index
      %swap3A_171 = tpu.vector_load %arg10[%swap3A_169, %swap3A_170] {strides = array<i32>} : memref<256x64xf32, #tpu.memory_space<vmem>>, vector<16xf32>,
      tpu.vector_store %arg10[%swap3A_169, %swap3A_170], %mul3A_168 {strides = array<i32>} : memref<256x64xf32, #tpu.memory_space<vmem>>, vector<16xf32>,
      %gather3A_172 = tpu.vector_load_idx %arg13[%add3A_38, %broadcast_in_dim3A] : memref<64x128xf32, #tpu.memory_space<vmem>>[vector<16xi32>, vector<16xi32>], vector<16xf32>,
      %mul3A_173 = vector.broadcast %squeeze3A_143 : f32 to vector<16xf32>
      %mul3A_174 = arith.mulf %mul3A_173, %get3A_7 : vector<16xf32>
      %add3A_175 = arith.addf %mul3A_174, %add3A_24 : vector<16xf32>
      %mul3A_176 = arith.mulf %gather3A_172, %add3A_175 : vector<16xf32>
      %swap3A_177 = arith.index_cast %add3A_157 : i32 to index
      %swap3A_178 = arith.constant 32 : index
      %swap3A_179 = tpu.vector_load %arg10[%swap3A_177, %swap3A_178] {strides = array<i32>} : memref<256x64xf32, #tpu.memory_space<vmem>>, vector<16xf32>,
      tpu.vector_store %arg10[%swap3A_177, %swap3A_178], %mul3A_176 {strides = array<i32>} : memref<256x64xf32, #tpu.memory_space<vmem>>, vector<16xf32>,
      %gather3A_180 = tpu.vector_load_idx %arg13[%add3A_41, %broadcast_in_dim3A] : memref<64x128xf32, #tpu.memory_space<vmem>>[vector<16xi32>, vector<16xi32>], vector<16xf32>,
      %mul3A_181 = vector.broadcast %squeeze3A_143 : f32 to vector<16xf32>
      %mul3A_182 = arith.mulf %mul3A_181, %get3A_9 : vector<16xf32>
      %add3A_183 = arith.addf %mul3A_182, %add3A_29 : vector<16xf32>
      %mul3A_184 = arith.mulf %gather3A_180, %add3A_183 : vector<16xf32>
      %swap3A_185 = arith.index_cast %add3A_157 : i32 to index
      %swap3A_186 = arith.constant 48 : index
      %swap3A_187 = tpu.vector_load %arg10[%swap3A_185, %swap3A_186] {strides = array<i32>} : memref<256x64xf32, #tpu.memory_space<vmem>>, vector<16xf32>,
      tpu.vector_store %arg10[%swap3A_185, %swap3A_186], %mul3A_184 {strides = array<i32>} : memref<256x64xf32, #tpu.memory_space<vmem>>, vector<16xf32>,
      %slice3A_188 = vector.extract_strided_slice %shift_left3A_121 {offsets = [8], sizes = [1], strides = [1]} : vector<16xi32> to vector<1xi32>
      %squeeze3A_189 = vector.extract %slice3A_188[0] : i32 from vector<1xi32>
      %multiple_of3A_190 = tpu.assume_multiple %squeeze3A_189, 128 : i32
      %dma_start3A_191 = arith.constant 0 : i32
      %dma_start3A_192 = tpu.memref_slice %arg2[%dma_start3A_191, %multiple_of3A_190] : memref<64x1000000xf32, #tpu.memory_space<hbm>> -> memref<64x128xf32, #tpu.memory_space<hbm>>
      %dma_start3A_193 = arith.constant 0 : i32
      %dma_start3A_194 = tpu.memref_slice %arg2[%dma_start3A_193, %multiple_of3A_190] : memref<64x1000000xf32, #tpu.memory_space<hbm>> -> memref<64x128xf32, #tpu.memory_space<hbm>>
      tpu.enqueue_dma source(%dma_start3A_194 : memref<64x128xf32, #tpu.memory_space<hbm>>) target(%arg13 : memref<64x128xf32, #tpu.memory_space<vmem>>) target_semaphore(%arg21 : memref<!tpu.dma_semaphore, #tpu.memory_space<semaphore_mem>>)
      %dma_wait3A_195 = arith.constant 0 : i32
      %dma_wait3A_196 = arith.constant 0 : i32
      %dma_wait3A_197 = tpu.memref_slice %arg2[%dma_wait3A_195, %dma_wait3A_196] : memref<64x1000000xf32, #tpu.memory_space<hbm>> -> memref<64x128xf32, #tpu.memory_space<hbm>>
      %dma_wait3A_198 = arith.constant 0 : i32
      %dma_wait3A_199 = arith.constant 0 : i32
      %dma_wait3A_200 = tpu.memref_slice %arg2[%dma_wait3A_198, %dma_wait3A_199] : memref<64x1000000xf32, #tpu.memory_space<hbm>> -> memref<64x128xf32, #tpu.memory_space<hbm>>
      tpu.wait_dma2 semaphore(%arg22 : memref<!tpu.dma_semaphore, #tpu.memory_space<semaphore_mem>>) src(%dma_wait3A_200 : memref<64x128xf32, #tpu.memory_space<hbm>>) dst(%arg14 : memref<64x128xf32, #tpu.memory_space<vmem>>)
      %slice3A_201 = vector.extract_strided_slice %and3A_115 {offsets = [1], sizes = [1], strides = [1]} : vector<16xi32> to vector<1xi32>
      %squeeze3A_202 = vector.extract %slice3A_201[0] : i32 from vector<1xi32>
      %broadcast_in_dim3A_203 = vector.broadcast %squeeze3A_202 : i32 to vector<16xi32>
      %slice3A_204 = vector.extract_strided_slice %get3A_113 {offsets = [1], sizes = [1], strides = [1]} : vector<16xf32> to vector<1xf32>
      %squeeze3A_205 = vector.extract %slice3A_204[0] : f32 from vector<1xf32>
      %jit3A_206 = arith.constant 16 : i32
      %eq3A_207 = arith.constant 0 : i32
      %eq3A_208 = arith.cmpi eq, %jit3A_206, %eq3A_207 : i32
      %jit3A_209 = arith.constant 1 : i32
      %select_n3A_210 = arith.select %eq3A_208, %jit3A_209, %jit3A_206 : i32
      %rem3A_211 = arith.remsi %scan3A_105, %select_n3A_210 : i32
      %ne3A_212 = arith.constant 0 : i32
      %ne3A_213 = arith.cmpi ne, %rem3A_211, %ne3A_212 : i32
      %lt3A_214 = arith.constant 0 : i32
      %lt3A_215 = arith.cmpi slt, %rem3A_211, %lt3A_214 : i32
      %lt3A_216 = arith.constant 0 : i32
      %lt3A_217 = arith.cmpi slt, %select_n3A_210, %lt3A_216 : i32
      %ne3A_218 = arith.xori %lt3A_215, %lt3A_217 : i1
      %and3A_219 = arith.andi %ne3A_218, %ne3A_213 : i1
      %add3A_220 = arith.addi %rem3A_211, %select_n3A_210 : i32
      %select_n3A_221 = arith.select %and3A_219, %add3A_220, %rem3A_211 : i32
      %mul3A_222 = arith.constant 16 : i32
      %mul3A_223 = arith.muli %select_n3A_221, %mul3A_222 : i32
      %add3A_224 = arith.constant 1 : i32
      %add3A_225 = arith.addi %mul3A_223, %add3A_224 : i32
      %gather3A_226 = tpu.vector_load_idx %arg14[%add3A_32, %broadcast_in_dim3A_203] : memref<64x128xf32, #tpu.memory_space<vmem>>[vector<16xi32>, vector<16xi32>], vector<16xf32>,
      %mul3A_227 = vector.broadcast %squeeze3A_205 : f32 to vector<16xf32>
      %mul3A_228 = arith.mulf %mul3A_227, %get3A_3 : vector<16xf32>
      %add3A_229 = arith.addf %mul3A_228, %add3A_14 : vector<16xf32>
      %mul3A_230 = arith.mulf %gather3A_226, %add3A_229 : vector<16xf32>
      %swap3A_231 = arith.index_cast %add3A_225 : i32 to index
      %swap3A_232 = arith.constant 0 : index
      %swap3A_233 = tpu.vector_load %arg10[%swap3A_231, %swap3A_232] {strides = array<i32>} : memref<256x64xf32, #tpu.memory_space<vmem>>, vector<16xf32>,
      tpu.vector_store %arg10[%swap3A_231, %swap3A_232], %mul3A_230 {strides = array<i32>} : memref<256x64xf32, #tpu.memory_space<vmem>>, vector<16xf32>,
      %gather3A_234 = tpu.vector_load_idx %arg14[%add3A_35, %broadcast_in_dim3A_203] : memref<64x128xf32, #tpu.memory_space<vmem>>[vector<16xi32>, vector<16xi32>], vector<16xf32>,
      %mul3A_235 = vector.broadcast %squeeze3A_205 : f32 to vector<16xf32>
      %mul3A_236 = arith.mulf %mul3A_235, %get3A_5 : vector<16xf32>
      %add3A_237 = arith.addf %mul3A_236, %add3A_19 : vector<16xf32>
      %mul3A_238 = arith.mulf %gather3A_234, %add3A_237 : vector<16xf32>
      %swap3A_239 = arith.index_cast %add3A_225 : i32 to index
      %swap3A_240 = arith.constant 16 : index
      %swap3A_241 = tpu.vector_load %arg10[%swap3A_239, %swap3A_240] {strides = array<i32>} : memref<256x64xf32, #tpu.memory_space<vmem>>, vector<16xf32>,
      tpu.vector_store %arg10[%swap3A_239, %swap3A_240], %mul3A_238 {strides = array<i32>} : memref<256x64xf32, #tpu.memory_space<vmem>>, vector<16xf32>,
      %gather3A_242 = tpu.vector_load_idx %arg14[%add3A_38, %broadcast_in_dim3A_203] : memref<64x128xf32, #tpu.memory_space<vmem>>[vector<16xi32>, vector<16xi32>], vector<16xf32>,
      %mul3A_243 = vector.broadcast %squeeze3A_205 : f32 to vector<16xf32>
      %mul3A_244 = arith.mulf %mul3A_243, %get3A_7 : vector<16xf32>
      %add3A_245 = arith.addf %mul3A_244, %add3A_24 : vector<16xf32>
      %mul3A_246 = arith.mulf %gather3A_242, %add3A_245 : vector<16xf32>
      %swap3A_247 = arith.index_cast %add3A_225 : i32 to index
      %swap3A_248 = arith.constant 32 : index
      %swap3A_249 = tpu.vector_load %arg10[%swap3A_247, %swap3A_248] {strides = array<i32>} : memref<256x64xf32, #tpu.memory_space<vmem>>, vector<16xf32>,
      tpu.vector_store %arg10[%swap3A_247, %swap3A_248], %mul3A_246 {strides = array<i32>} : memref<256x64xf32, #tpu.memory_space<vmem>>, vector<16xf32>,
      %gather3A_250 = tpu.vector_load_idx %arg14[%add3A_41, %broadcast_in_dim3A_203] : memref<64x128xf32, #tpu.memory_space<vmem>>[vector<16xi32>, vector<16xi32>], vector<16xf32>,
      %mul3A_251 = vector.broadcast %squeeze3A_205 : f32 to vector<16xf32>
      %mul3A_252 = arith.mulf %mul3A_251, %get3A_9 : vector<16xf32>
      %add3A_253 = arith.addf %mul3A_252, %add3A_29 : vector<16xf32>
      %mul3A_254 = arith.mulf %gather3A_250, %add3A_253 : vector<16xf32>
      %swap3A_255 = arith.index_cast %add3A_225 : i32 to index
      %swap3A_256 = arith.constant 48 : index
      %swap3A_257 = tpu.vector_load %arg10[%swap3A_255, %swap3A_256] {strides = array<i32>} : memref<256x64xf32, #tpu.memory_space<vmem>>, vector<16xf32>,
      tpu.vector_store %arg10[%swap3A_255, %swap3A_256], %mul3A_254 {strides = array<i32>} : memref<256x64xf32, #tpu.memory_space<vmem>>, vector<16xf32>,
      %slice3A_258 = vector.extract_strided_slice %shift_left3A_121 {offsets = [9], sizes = [1], strides = [1]} : vector<16xi32> to vector<1xi32>
      %squeeze3A_259 = vector.extract %slice3A_258[0] : i32 from vector<1xi32>
      %multiple_of3A_260 = tpu.assume_multiple %squeeze3A_259, 128 : i32
      %dma_start3A_261 = arith.constant 0 : i32
      %dma_start3A_262 = tpu.memref_slice %arg2[%dma_start3A_261, %multiple_of3A_260] : memref<64x1000000xf32, #tpu.memory_space<hbm>> -> memref<64x128xf32, #tpu.memory_space<hbm>>
      %dma_start3A_263 = arith.constant 0 : i32
      %dma_start3A_264 = tpu.memref_slice %arg2[%dma_start3A_263, %multiple_of3A_260] : memref<64x1000000xf32, #tpu.memory_space<hbm>> -> memref<64x128xf32, #tpu.memory_space<hbm>>
      tpu.enqueue_dma source(%dma_start3A_264 : memref<64x128xf32, #tpu.memory_space<hbm>>) target(%arg14 : memref<64x128xf32, #tpu.memory_space<vmem>>) target_semaphore(%arg22 : memref<!tpu.dma_semaphore, #tpu.memory_space<semaphore_mem>>)
      %dma_wait3A_265 = arith.constant 0 : i32
      %dma_wait3A_266 = arith.constant 0 : i32
      %dma_wait3A_267 = tpu.memref_slice %arg2[%dma_wait3A_265, %dma_wait3A_266] : memref<64x1000000xf32, #tpu.memory_space<hbm>> -> memref<64x128xf32, #tpu.memory_space<hbm>>
      %dma_wait3A_268 = arith.constant 0 : i32
      %dma_wait3A_269 = arith.constant 0 : i32
      %dma_wait3A_270 = tpu.memref_slice %arg2[%dma_wait3A_268, %dma_wait3A_269] : memref<64x1000000xf32, #tpu.memory_space<hbm>> -> memref<64x128xf32, #tpu.memory_space<hbm>>
      tpu.wait_dma2 semaphore(%arg23 : memref<!tpu.dma_semaphore, #tpu.memory_space<semaphore_mem>>) src(%dma_wait3A_270 : memref<64x128xf32, #tpu.memory_space<hbm>>) dst(%arg15 : memref<64x128xf32, #tpu.memory_space<vmem>>)
      %slice3A_271 = vector.extract_strided_slice %and3A_115 {offsets = [2], sizes = [1], strides = [1]} : vector<16xi32> to vector<1xi32>
      %squeeze3A_272 = vector.extract %slice3A_271[0] : i32 from vector<1xi32>
      %broadcast_in_dim3A_273 = vector.broadcast %squeeze3A_272 : i32 to vector<16xi32>
      %slice3A_274 = vector.extract_strided_slice %get3A_113 {offsets = [2], sizes = [1], strides = [1]} : vector<16xf32> to vector<1xf32>
      %squeeze3A_275 = vector.extract %slice3A_274[0] : f32 from vector<1xf32>
      %jit3A_276 = arith.constant 16 : i32
      %eq3A_277 = arith.constant 0 : i32
      %eq3A_278 = arith.cmpi eq, %jit3A_276, %eq3A_277 : i32
      %jit3A_279 = arith.constant 1 : i32
      %select_n3A_280 = arith.select %eq3A_278, %jit3A_279, %jit3A_276 : i32
      %rem3A_281 = arith.remsi %scan3A_105, %select_n3A_280 : i32
      %ne3A_282 = arith.constant 0 : i32
      %ne3A_283 = arith.cmpi ne, %rem3A_281, %ne3A_282 : i32
      %lt3A_284 = arith.constant 0 : i32
      %lt3A_285 = arith.cmpi slt, %rem3A_281, %lt3A_284 : i32
      %lt3A_286 = arith.constant 0 : i32
      %lt3A_287 = arith.cmpi slt, %select_n3A_280, %lt3A_286 : i32
      %ne3A_288 = arith.xori %lt3A_285, %lt3A_287 : i1
      %and3A_289 = arith.andi %ne3A_288, %ne3A_283 : i1
      %add3A_290 = arith.addi %rem3A_281, %select_n3A_280 : i32
      %select_n3A_291 = arith.select %and3A_289, %add3A_290, %rem3A_281 : i32
      %mul3A_292 = arith.constant 16 : i32
      %mul3A_293 = arith.muli %select_n3A_291, %mul3A_292 : i32
      %add3A_294 = arith.constant 2 : i32
      %add3A_295 = arith.addi %mul3A_293, %add3A_294 : i32
      %gather3A_296 = tpu.vector_load_idx %arg15[%add3A_32, %broadcast_in_dim3A_273] : memref<64x128xf32, #tpu.memory_space<vmem>>[vector<16xi32>, vector<16xi32>], vector<16xf32>,
      %mul3A_297 = vector.broadcast %squeeze3A_275 : f32 to vector<16xf32>
      %mul3A_298 = arith.mulf %mul3A_297, %get3A_3 : vector<16xf32>
      %add3A_299 = arith.addf %mul3A_298, %add3A_14 : vector<16xf32>
      %mul3A_300 = arith.mulf %gather3A_296, %add3A_299 : vector<16xf32>
      %swap3A_301 = arith.index_cast %add3A_295 : i32 to index
      %swap3A_302 = arith.constant 0 : index
      %swap3A_303 = tpu.vector_load %arg10[%swap3A_301, %swap3A_302] {strides = array<i32>} : memref<256x64xf32, #tpu.memory_space<vmem>>, vector<16xf32>,
      tpu.vector_store %arg10[%swap3A_301, %swap3A_302], %mul3A_300 {strides = array<i32>} : memref<256x64xf32, #tpu.memory_space<vmem>>, vector<16xf32>,
      %gather3A_304 = tpu.vector_load_idx %arg15[%add3A_35, %broadcast_in_dim3A_273] : memref<64x128xf32, #tpu.memory_space<vmem>>[vector<16xi32>, vector<16xi32>], vector<16xf32>,
      %mul3A_305 = vector.broadcast %squeeze3A_275 : f32 to vector<16xf32>
      %mul3A_306 = arith.mulf %mul3A_305, %get3A_5 : vector<16xf32>
      %add3A_307 = arith.addf %mul3A_306, %add3A_19 : vector<16xf32>
      %mul3A_308 = arith.mulf %gather3A_304, %add3A_307 : vector<16xf32>
      %swap3A_309 = arith.index_cast %add3A_295 : i32 to index
      %swap3A_310 = arith.constant 16 : index
      %swap3A_311 = tpu.vector_load %arg10[%swap3A_309, %swap3A_310] {strides = array<i32>} : memref<256x64xf32, #tpu.memory_space<vmem>>, vector<16xf32>,
      tpu.vector_store %arg10[%swap3A_309, %swap3A_310], %mul3A_308 {strides = array<i32>} : memref<256x64xf32, #tpu.memory_space<vmem>>, vector<16xf32>,
      %gather3A_312 = tpu.vector_load_idx %arg15[%add3A_38, %broadcast_in_dim3A_273] : memref<64x128xf32, #tpu.memory_space<vmem>>[vector<16xi32>, vector<16xi32>], vector<16xf32>,
      %mul3A_313 = vector.broadcast %squeeze3A_275 : f32 to vector<16xf32>
      %mul3A_314 = arith.mulf %mul3A_313, %get3A_7 : vector<16xf32>
      %add3A_315 = arith.addf %mul3A_314, %add3A_24 : vector<16xf32>
      %mul3A_316 = arith.mulf %gather3A_312, %add3A_315 : vector<16xf32>
      %swap3A_317 = arith.index_cast %add3A_295 : i32 to index
      %swap3A_318 = arith.constant 32 : index
      %swap3A_319 = tpu.vector_load %arg10[%swap3A_317, %swap3A_318] {strides = array<i32>} : memref<256x64xf32, #tpu.memory_space<vmem>>, vector<16xf32>,
      tpu.vector_store %arg10[%swap3A_317, %swap3A_318], %mul3A_316 {strides = array<i32>} : memref<256x64xf32, #tpu.memory_space<vmem>>, vector<16xf32>,
      %gather3A_320 = tpu.vector_load_idx %arg15[%add3A_41, %broadcast_in_dim3A_273] : memref<64x128xf32, #tpu.memory_space<vmem>>[vector<16xi32>, vector<16xi32>], vector<16xf32>,
      %mul3A_321 = vector.broadcast %squeeze3A_275 : f32 to vector<16xf32>
      %mul3A_322 = arith.mulf %mul3A_321, %get3A_9 : vector<16xf32>
      %add3A_323 = arith.addf %mul3A_322, %add3A_29 : vector<16xf32>
      %mul3A_324 = arith.mulf %gather3A_320, %add3A_323 : vector<16xf32>
      %swap3A_325 = arith.index_cast %add3A_295 : i32 to index
      %swap3A_326 = arith.constant 48 : index
      %swap3A_327 = tpu.vector_load %arg10[%swap3A_325, %swap3A_326] {strides = array<i32>} : memref<256x64xf32, #tpu.memory_space<vmem>>, vector<16xf32>,
      tpu.vector_store %arg10[%swap3A_325, %swap3A_326], %mul3A_324 {strides = array<i32>} : memref<256x64xf32, #tpu.memory_space<vmem>>, vector<16xf32>,
      %slice3A_328 = vector.extract_strided_slice %shift_left3A_121 {offsets = [10], sizes = [1], strides = [1]} : vector<16xi32> to vector<1xi32>
      %squeeze3A_329 = vector.extract %slice3A_328[0] : i32 from vector<1xi32>
      %multiple_of3A_330 = tpu.assume_multiple %squeeze3A_329, 128 : i32
      %dma_start3A_331 = arith.constant 0 : i32
      %dma_start3A_332 = tpu.memref_slice %arg2[%dma_start3A_331, %multiple_of3A_330] : memref<64x1000000xf32, #tpu.memory_space<hbm>> -> memref<64x128xf32, #tpu.memory_space<hbm>>
      %dma_start3A_333 = arith.constant 0 : i32
      %dma_start3A_334 = tpu.memref_slice %arg2[%dma_start3A_333, %multiple_of3A_330] : memref<64x1000000xf32, #tpu.memory_space<hbm>> -> memref<64x128xf32, #tpu.memory_space<hbm>>
      tpu.enqueue_dma source(%dma_start3A_334 : memref<64x128xf32, #tpu.memory_space<hbm>>) target(%arg15 : memref<64x128xf32, #tpu.memory_space<vmem>>) target_semaphore(%arg23 : memref<!tpu.dma_semaphore, #tpu.memory_space<semaphore_mem>>)
      %dma_wait3A_335 = arith.constant 0 : i32
      %dma_wait3A_336 = arith.constant 0 : i32
      %dma_wait3A_337 = tpu.memref_slice %arg2[%dma_wait3A_335, %dma_wait3A_336] : memref<64x1000000xf32, #tpu.memory_space<hbm>> -> memref<64x128xf32, #tpu.memory_space<hbm>>
      %dma_wait3A_338 = arith.constant 0 : i32
      %dma_wait3A_339 = arith.constant 0 : i32
      %dma_wait3A_340 = tpu.memref_slice %arg2[%dma_wait3A_338, %dma_wait3A_339] : memref<64x1000000xf32, #tpu.memory_space<hbm>> -> memref<64x128xf32, #tpu.memory_space<hbm>>
      tpu.wait_dma2 semaphore(%arg24 : memref<!tpu.dma_semaphore, #tpu.memory_space<semaphore_mem>>) src(%dma_wait3A_340 : memref<64x128xf32, #tpu.memory_space<hbm>>) dst(%arg16 : memref<64x128xf32, #tpu.memory_space<vmem>>)
      %slice3A_341 = vector.extract_strided_slice %and3A_115 {offsets = [3], sizes = [1], strides = [1]} : vector<16xi32> to vector<1xi32>
      %squeeze3A_342 = vector.extract %slice3A_341[0] : i32 from vector<1xi32>
      %broadcast_in_dim3A_343 = vector.broadcast %squeeze3A_342 : i32 to vector<16xi32>
      %slice3A_344 = vector.extract_strided_slice %get3A_113 {offsets = [3], sizes = [1], strides = [1]} : vector<16xf32> to vector<1xf32>
      %squeeze3A_345 = vector.extract %slice3A_344[0] : f32 from vector<1xf32>
      %jit3A_346 = arith.constant 16 : i32
      %eq3A_347 = arith.constant 0 : i32
      %eq3A_348 = arith.cmpi eq, %jit3A_346, %eq3A_347 : i32
      %jit3A_349 = arith.constant 1 : i32
      %select_n3A_350 = arith.select %eq3A_348, %jit3A_349, %jit3A_346 : i32
      %rem3A_351 = arith.remsi %scan3A_105, %select_n3A_350 : i32
      %ne3A_352 = arith.constant 0 : i32
      %ne3A_353 = arith.cmpi ne, %rem3A_351, %ne3A_352 : i32
      %lt3A_354 = arith.constant 0 : i32
      %lt3A_355 = arith.cmpi slt, %rem3A_351, %lt3A_354 : i32
      %lt3A_356 = arith.constant 0 : i32
      %lt3A_357 = arith.cmpi slt, %select_n3A_350, %lt3A_356 : i32
      %ne3A_358 = arith.xori %lt3A_355, %lt3A_357 : i1
      %and3A_359 = arith.andi %ne3A_358, %ne3A_353 : i1
      %add3A_360 = arith.addi %rem3A_351, %select_n3A_350 : i32
      %select_n3A_361 = arith.select %and3A_359, %add3A_360, %rem3A_351 : i32
      %mul3A_362 = arith.constant 16 : i32
      %mul3A_363 = arith.muli %select_n3A_361, %mul3A_362 : i32
      %add3A_364 = arith.constant 3 : i32
      %add3A_365 = arith.addi %mul3A_363, %add3A_364 : i32
      %gather3A_366 = tpu.vector_load_idx %arg16[%add3A_32, %broadcast_in_dim3A_343] : memref<64x128xf32, #tpu.memory_space<vmem>>[vector<16xi32>, vector<16xi32>], vector<16xf32>,
      %mul3A_367 = vector.broadcast %squeeze3A_345 : f32 to vector<16xf32>
      %mul3A_368 = arith.mulf %mul3A_367, %get3A_3 : vector<16xf32>
      %add3A_369 = arith.addf %mul3A_368, %add3A_14 : vector<16xf32>
      %mul3A_370 = arith.mulf %gather3A_366, %add3A_369 : vector<16xf32>
      %swap3A_371 = arith.index_cast %add3A_365 : i32 to index
      %swap3A_372 = arith.constant 0 : index
      %swap3A_373 = tpu.vector_load %arg10[%swap3A_371, %swap3A_372] {strides = array<i32>} : memref<256x64xf32, #tpu.memory_space<vmem>>, vector<16xf32>,
      tpu.vector_store %arg10[%swap3A_371, %swap3A_372], %mul3A_370 {strides = array<i32>} : memref<256x64xf32, #tpu.memory_space<vmem>>, vector<16xf32>,
      %gather3A_374 = tpu.vector_load_idx %arg16[%add3A_35, %broadcast_in_dim3A_343] : memref<64x128xf32, #tpu.memory_space<vmem>>[vector<16xi32>, vector<16xi32>], vector<16xf32>,
      %mul3A_375 = vector.broadcast %squeeze3A_345 : f32 to vector<16xf32>
      %mul3A_376 = arith.mulf %mul3A_375, %get3A_5 : vector<16xf32>
      %add3A_377 = arith.addf %mul3A_376, %add3A_19 : vector<16xf32>
      %mul3A_378 = arith.mulf %gather3A_374, %add3A_377 : vector<16xf32>
      %swap3A_379 = arith.index_cast %add3A_365 : i32 to index
      %swap3A_380 = arith.constant 16 : index
      %swap3A_381 = tpu.vector_load %arg10[%swap3A_379, %swap3A_380] {strides = array<i32>} : memref<256x64xf32, #tpu.memory_space<vmem>>, vector<16xf32>,
      tpu.vector_store %arg10[%swap3A_379, %swap3A_380], %mul3A_378 {strides = array<i32>} : memref<256x64xf32, #tpu.memory_space<vmem>>, vector<16xf32>,
      %gather3A_382 = tpu.vector_load_idx %arg16[%add3A_38, %broadcast_in_dim3A_343] : memref<64x128xf32, #tpu.memory_space<vmem>>[vector<16xi32>, vector<16xi32>], vector<16xf32>,
      %mul3A_383 = vector.broadcast %squeeze3A_345 : f32 to vector<16xf32>
      %mul3A_384 = arith.mulf %mul3A_383, %get3A_7 : vector<16xf32>
      %add3A_385 = arith.addf %mul3A_384, %add3A_24 : vector<16xf32>
      %mul3A_386 = arith.mulf %gather3A_382, %add3A_385 : vector<16xf32>
      %swap3A_387 = arith.index_cast %add3A_365 : i32 to index
      %swap3A_388 = arith.constant 32 : index
      %swap3A_389 = tpu.vector_load %arg10[%swap3A_387, %swap3A_388] {strides = array<i32>} : memref<256x64xf32, #tpu.memory_space<vmem>>, vector<16xf32>,
      tpu.vector_store %arg10[%swap3A_387, %swap3A_388], %mul3A_386 {strides = array<i32>} : memref<256x64xf32, #tpu.memory_space<vmem>>, vector<16xf32>,
      %gather3A_390 = tpu.vector_load_idx %arg16[%add3A_41, %broadcast_in_dim3A_343] : memref<64x128xf32, #tpu.memory_space<vmem>>[vector<16xi32>, vector<16xi32>], vector<16xf32>,
      %mul3A_391 = vector.broadcast %squeeze3A_345 : f32 to vector<16xf32>
      %mul3A_392 = arith.mulf %mul3A_391, %get3A_9 : vector<16xf32>
      %add3A_393 = arith.addf %mul3A_392, %add3A_29 : vector<16xf32>
      %mul3A_394 = arith.mulf %gather3A_390, %add3A_393 : vector<16xf32>
      %swap3A_395 = arith.index_cast %add3A_365 : i32 to index
      %swap3A_396 = arith.constant 48 : index
      %swap3A_397 = tpu.vector_load %arg10[%swap3A_395, %swap3A_396] {strides = array<i32>} : memref<256x64xf32, #tpu.memory_space<vmem>>, vector<16xf32>,
      tpu.vector_store %arg10[%swap3A_395, %swap3A_396], %mul3A_394 {strides = array<i32>} : memref<256x64xf32, #tpu.memory_space<vmem>>, vector<16xf32>,
      %slice3A_398 = vector.extract_strided_slice %shift_left3A_121 {offsets = [11], sizes = [1], strides = [1]} : vector<16xi32> to vector<1xi32>
      %squeeze3A_399 = vector.extract %slice3A_398[0] : i32 from vector<1xi32>
      %multiple_of3A_400 = tpu.assume_multiple %squeeze3A_399, 128 : i32
      %dma_start3A_401 = arith.constant 0 : i32
      %dma_start3A_402 = tpu.memref_slice %arg2[%dma_start3A_401, %multiple_of3A_400] : memref<64x1000000xf32, #tpu.memory_space<hbm>> -> memref<64x128xf32, #tpu.memory_space<hbm>>
      %dma_start3A_403 = arith.constant 0 : i32
      %dma_start3A_404 = tpu.memref_slice %arg2[%dma_start3A_403, %multiple_of3A_400] : memref<64x1000000xf32, #tpu.memory_space<hbm>> -> memref<64x128xf32, #tpu.memory_space<hbm>>
      tpu.enqueue_dma source(%dma_start3A_404 : memref<64x128xf32, #tpu.memory_space<hbm>>) target(%arg16 : memref<64x128xf32, #tpu.memory_space<vmem>>) target_semaphore(%arg24 : memref<!tpu.dma_semaphore, #tpu.memory_space<semaphore_mem>>)
      %dma_wait3A_405 = arith.constant 0 : i32
      %dma_wait3A_406 = arith.constant 0 : i32
      %dma_wait3A_407 = tpu.memref_slice %arg2[%dma_wait3A_405, %dma_wait3A_406] : memref<64x1000000xf32, #tpu.memory_space<hbm>> -> memref<64x128xf32, #tpu.memory_space<hbm>>
      %dma_wait3A_408 = arith.constant 0 : i32
      %dma_wait3A_409 = arith.constant 0 : i32
      %dma_wait3A_410 = tpu.memref_slice %arg2[%dma_wait3A_408, %dma_wait3A_409] : memref<64x1000000xf32, #tpu.memory_space<hbm>> -> memref<64x128xf32, #tpu.memory_space<hbm>>
      tpu.wait_dma2 semaphore(%arg25 : memref<!tpu.dma_semaphore, #tpu.memory_space<semaphore_mem>>) src(%dma_wait3A_410 : memref<64x128xf32, #tpu.memory_space<hbm>>) dst(%arg17 : memref<64x128xf32, #tpu.memory_space<vmem>>)
      %slice3A_411 = vector.extract_strided_slice %and3A_115 {offsets = [4], sizes = [1], strides = [1]} : vector<16xi32> to vector<1xi32>
      %squeeze3A_412 = vector.extract %slice3A_411[0] : i32 from vector<1xi32>
      %broadcast_in_dim3A_413 = vector.broadcast %squeeze3A_412 : i32 to vector<16xi32>
      %slice3A_414 = vector.extract_strided_slice %get3A_113 {offsets = [4], sizes = [1], strides = [1]} : vector<16xf32> to vector<1xf32>
      %squeeze3A_415 = vector.extract %slice3A_414[0] : f32 from vector<1xf32>
      %jit3A_416 = arith.constant 16 : i32
      %eq3A_417 = arith.constant 0 : i32
      %eq3A_418 = arith.cmpi eq, %jit3A_416, %eq3A_417 : i32
      %jit3A_419 = arith.constant 1 : i32
      %select_n3A_420 = arith.select %eq3A_418, %jit3A_419, %jit3A_416 : i32
      %rem3A_421 = arith.remsi %scan3A_105, %select_n3A_420 : i32
      %ne3A_422 = arith.constant 0 : i32
      %ne3A_423 = arith.cmpi ne, %rem3A_421, %ne3A_422 : i32
      %lt3A_424 = arith.constant 0 : i32
      %lt3A_425 = arith.cmpi slt, %rem3A_421, %lt3A_424 : i32
      %lt3A_426 = arith.constant 0 : i32
      %lt3A_427 = arith.cmpi slt, %select_n3A_420, %lt3A_426 : i32
      %ne3A_428 = arith.xori %lt3A_425, %lt3A_427 : i1
      %and3A_429 = arith.andi %ne3A_428, %ne3A_423 : i1
      %add3A_430 = arith.addi %rem3A_421, %select_n3A_420 : i32
      %select_n3A_431 = arith.select %and3A_429, %add3A_430, %rem3A_421 : i32
      %mul3A_432 = arith.constant 16 : i32
      %mul3A_433 = arith.muli %select_n3A_431, %mul3A_432 : i32
      %add3A_434 = arith.constant 4 : i32
      %add3A_435 = arith.addi %mul3A_433, %add3A_434 : i32
      %gather3A_436 = tpu.vector_load_idx %arg17[%add3A_32, %broadcast_in_dim3A_413] : memref<64x128xf32, #tpu.memory_space<vmem>>[vector<16xi32>, vector<16xi32>], vector<16xf32>,
      %mul3A_437 = vector.broadcast %squeeze3A_415 : f32 to vector<16xf32>
      %mul3A_438 = arith.mulf %mul3A_437, %get3A_3 : vector<16xf32>
      %add3A_439 = arith.addf %mul3A_438, %add3A_14 : vector<16xf32>
      %mul3A_440 = arith.mulf %gather3A_436, %add3A_439 : vector<16xf32>
      %swap3A_441 = arith.index_cast %add3A_435 : i32 to index
      %swap3A_442 = arith.constant 0 : index
      %swap3A_443 = tpu.vector_load %arg10[%swap3A_441, %swap3A_442] {strides = array<i32>} : memref<256x64xf32, #tpu.memory_space<vmem>>, vector<16xf32>,
      tpu.vector_store %arg10[%swap3A_441, %swap3A_442], %mul3A_440 {strides = array<i32>} : memref<256x64xf32, #tpu.memory_space<vmem>>, vector<16xf32>,
      %gather3A_444 = tpu.vector_load_idx %arg17[%add3A_35, %broadcast_in_dim3A_413] : memref<64x128xf32, #tpu.memory_space<vmem>>[vector<16xi32>, vector<16xi32>], vector<16xf32>,
      %mul3A_445 = vector.broadcast %squeeze3A_415 : f32 to vector<16xf32>
      %mul3A_446 = arith.mulf %mul3A_445, %get3A_5 : vector<16xf32>
      %add3A_447 = arith.addf %mul3A_446, %add3A_19 : vector<16xf32>
      %mul3A_448 = arith.mulf %gather3A_444, %add3A_447 : vector<16xf32>
      %swap3A_449 = arith.index_cast %add3A_435 : i32 to index
      %swap3A_450 = arith.constant 16 : index
      %swap3A_451 = tpu.vector_load %arg10[%swap3A_449, %swap3A_450] {strides = array<i32>} : memref<256x64xf32, #tpu.memory_space<vmem>>, vector<16xf32>,
      tpu.vector_store %arg10[%swap3A_449, %swap3A_450], %mul3A_448 {strides = array<i32>} : memref<256x64xf32, #tpu.memory_space<vmem>>, vector<16xf32>,
      %gather3A_452 = tpu.vector_load_idx %arg17[%add3A_38, %broadcast_in_dim3A_413] : memref<64x128xf32, #tpu.memory_space<vmem>>[vector<16xi32>, vector<16xi32>], vector<16xf32>,
      %mul3A_453 = vector.broadcast %squeeze3A_415 : f32 to vector<16xf32>
      %mul3A_454 = arith.mulf %mul3A_453, %get3A_7 : vector<16xf32>
      %add3A_455 = arith.addf %mul3A_454, %add3A_24 : vector<16xf32>
      %mul3A_456 = arith.mulf %gather3A_452, %add3A_455 : vector<16xf32>
      %swap3A_457 = arith.index_cast %add3A_435 : i32 to index
      %swap3A_458 = arith.constant 32 : index
      %swap3A_459 = tpu.vector_load %arg10[%swap3A_457, %swap3A_458] {strides = array<i32>} : memref<256x64xf32, #tpu.memory_space<vmem>>, vector<16xf32>,
      tpu.vector_store %arg10[%swap3A_457, %swap3A_458], %mul3A_456 {strides = array<i32>} : memref<256x64xf32, #tpu.memory_space<vmem>>, vector<16xf32>,
      %gather3A_460 = tpu.vector_load_idx %arg17[%add3A_41, %broadcast_in_dim3A_413] : memref<64x128xf32, #tpu.memory_space<vmem>>[vector<16xi32>, vector<16xi32>], vector<16xf32>,
      %mul3A_461 = vector.broadcast %squeeze3A_415 : f32 to vector<16xf32>
      %mul3A_462 = arith.mulf %mul3A_461, %get3A_9 : vector<16xf32>
      %add3A_463 = arith.addf %mul3A_462, %add3A_29 : vector<16xf32>
      %mul3A_464 = arith.mulf %gather3A_460, %add3A_463 : vector<16xf32>
      %swap3A_465 = arith.index_cast %add3A_435 : i32 to index
      %swap3A_466 = arith.constant 48 : index
      %swap3A_467 = tpu.vector_load %arg10[%swap3A_465, %swap3A_466] {strides = array<i32>} : memref<256x64xf32, #tpu.memory_space<vmem>>, vector<16xf32>,
      tpu.vector_store %arg10[%swap3A_465, %swap3A_466], %mul3A_464 {strides = array<i32>} : memref<256x64xf32, #tpu.memory_space<vmem>>, vector<16xf32>,
      %slice3A_468 = vector.extract_strided_slice %shift_left3A_121 {offsets = [12], sizes = [1], strides = [1]} : vector<16xi32> to vector<1xi32>
      %squeeze3A_469 = vector.extract %slice3A_468[0] : i32 from vector<1xi32>
      %multiple_of3A_470 = tpu.assume_multiple %squeeze3A_469, 128 : i32
      %dma_start3A_471 = arith.constant 0 : i32
      %dma_start3A_472 = tpu.memref_slice %arg2[%dma_start3A_471, %multiple_of3A_470] : memref<64x1000000xf32, #tpu.memory_space<hbm>> -> memref<64x128xf32, #tpu.memory_space<hbm>>
      %dma_start3A_473 = arith.constant 0 : i32
      %dma_start3A_474 = tpu.memref_slice %arg2[%dma_start3A_473, %multiple_of3A_470] : memref<64x1000000xf32, #tpu.memory_space<hbm>> -> memref<64x128xf32, #tpu.memory_space<hbm>>
      tpu.enqueue_dma source(%dma_start3A_474 : memref<64x128xf32, #tpu.memory_space<hbm>>) target(%arg17 : memref<64x128xf32, #tpu.memory_space<vmem>>) target_semaphore(%arg25 : memref<!tpu.dma_semaphore, #tpu.memory_space<semaphore_mem>>)
      %dma_wait3A_475 = arith.constant 0 : i32
      %dma_wait3A_476 = arith.constant 0 : i32
      %dma_wait3A_477 = tpu.memref_slice %arg2[%dma_wait3A_475, %dma_wait3A_476] : memref<64x1000000xf32, #tpu.memory_space<hbm>> -> memref<64x128xf32, #tpu.memory_space<hbm>>
      %dma_wait3A_478 = arith.constant 0 : i32
      %dma_wait3A_479 = arith.constant 0 : i32
      %dma_wait3A_480 = tpu.memref_slice %arg2[%dma_wait3A_478, %dma_wait3A_479] : memref<64x1000000xf32, #tpu.memory_space<hbm>> -> memref<64x128xf32, #tpu.memory_space<hbm>>
      tpu.wait_dma2 semaphore(%arg26 : memref<!tpu.dma_semaphore, #tpu.memory_space<semaphore_mem>>) src(%dma_wait3A_480 : memref<64x128xf32, #tpu.memory_space<hbm>>) dst(%arg18 : memref<64x128xf32, #tpu.memory_space<vmem>>)
      %slice3A_481 = vector.extract_strided_slice %and3A_115 {offsets = [5], sizes = [1], strides = [1]} : vector<16xi32> to vector<1xi32>
      %squeeze3A_482 = vector.extract %slice3A_481[0] : i32 from vector<1xi32>
      %broadcast_in_dim3A_483 = vector.broadcast %squeeze3A_482 : i32 to vector<16xi32>
      %slice3A_484 = vector.extract_strided_slice %get3A_113 {offsets = [5], sizes = [1], strides = [1]} : vector<16xf32> to vector<1xf32>
      %squeeze3A_485 = vector.extract %slice3A_484[0] : f32 from vector<1xf32>
      %jit3A_486 = arith.constant 16 : i32
      %eq3A_487 = arith.constant 0 : i32
      %eq3A_488 = arith.cmpi eq, %jit3A_486, %eq3A_487 : i32
      %jit3A_489 = arith.constant 1 : i32
      %select_n3A_490 = arith.select %eq3A_488, %jit3A_489, %jit3A_486 : i32
      %rem3A_491 = arith.remsi %scan3A_105, %select_n3A_490 : i32
      %ne3A_492 = arith.constant 0 : i32
      %ne3A_493 = arith.cmpi ne, %rem3A_491, %ne3A_492 : i32
      %lt3A_494 = arith.constant 0 : i32
      %lt3A_495 = arith.cmpi slt, %rem3A_491, %lt3A_494 : i32
      %lt3A_496 = arith.constant 0 : i32
      %lt3A_497 = arith.cmpi slt, %select_n3A_490, %lt3A_496 : i32
      %ne3A_498 = arith.xori %lt3A_495, %lt3A_497 : i1
      %and3A_499 = arith.andi %ne3A_498, %ne3A_493 : i1
      %add3A_500 = arith.addi %rem3A_491, %select_n3A_490 : i32
      %select_n3A_501 = arith.select %and3A_499, %add3A_500, %rem3A_491 : i32
      %mul3A_502 = arith.constant 16 : i32
      %mul3A_503 = arith.muli %select_n3A_501, %mul3A_502 : i32
      %add3A_504 = arith.constant 5 : i32
      %add3A_505 = arith.addi %mul3A_503, %add3A_504 : i32
      %gather3A_506 = tpu.vector_load_idx %arg18[%add3A_32, %broadcast_in_dim3A_483] : memref<64x128xf32, #tpu.memory_space<vmem>>[vector<16xi32>, vector<16xi32>], vector<16xf32>,
      %mul3A_507 = vector.broadcast %squeeze3A_485 : f32 to vector<16xf32>
      %mul3A_508 = arith.mulf %mul3A_507, %get3A_3 : vector<16xf32>
      %add3A_509 = arith.addf %mul3A_508, %add3A_14 : vector<16xf32>
      %mul3A_510 = arith.mulf %gather3A_506, %add3A_509 : vector<16xf32>
      %swap3A_511 = arith.index_cast %add3A_505 : i32 to index
      %swap3A_512 = arith.constant 0 : index
      %swap3A_513 = tpu.vector_load %arg10[%swap3A_511, %swap3A_512] {strides = array<i32>} : memref<256x64xf32, #tpu.memory_space<vmem>>, vector<16xf32>,
      tpu.vector_store %arg10[%swap3A_511, %swap3A_512], %mul3A_510 {strides = array<i32>} : memref<256x64xf32, #tpu.memory_space<vmem>>, vector<16xf32>,
      %gather3A_514 = tpu.vector_load_idx %arg18[%add3A_35, %broadcast_in_dim3A_483] : memref<64x128xf32, #tpu.memory_space<vmem>>[vector<16xi32>, vector<16xi32>], vector<16xf32>,
      %mul3A_515 = vector.broadcast %squeeze3A_485 : f32 to vector<16xf32>
      %mul3A_516 = arith.mulf %mul3A_515, %get3A_5 : vector<16xf32>
      %add3A_517 = arith.addf %mul3A_516, %add3A_19 : vector<16xf32>
      %mul3A_518 = arith.mulf %gather3A_514, %add3A_517 : vector<16xf32>
      %swap3A_519 = arith.index_cast %add3A_505 : i32 to index
      %swap3A_520 = arith.constant 16 : index
      %swap3A_521 = tpu.vector_load %arg10[%swap3A_519, %swap3A_520] {strides = array<i32>} : memref<256x64xf32, #tpu.memory_space<vmem>>, vector<16xf32>,
      tpu.vector_store %arg10[%swap3A_519, %swap3A_520], %mul3A_518 {strides = array<i32>} : memref<256x64xf32, #tpu.memory_space<vmem>>, vector<16xf32>,
      %gather3A_522 = tpu.vector_load_idx %arg18[%add3A_38, %broadcast_in_dim3A_483] : memref<64x128xf32, #tpu.memory_space<vmem>>[vector<16xi32>, vector<16xi32>], vector<16xf32>,
      %mul3A_523 = vector.broadcast %squeeze3A_485 : f32 to vector<16xf32>
      %mul3A_524 = arith.mulf %mul3A_523, %get3A_7 : vector<16xf32>
      %add3A_525 = arith.addf %mul3A_524, %add3A_24 : vector<16xf32>
      %mul3A_526 = arith.mulf %gather3A_522, %add3A_525 : vector<16xf32>
      %swap3A_527 = arith.index_cast %add3A_505 : i32 to index
      %swap3A_528 = arith.constant 32 : index
      %swap3A_529 = tpu.vector_load %arg10[%swap3A_527, %swap3A_528] {strides = array<i32>} : memref<256x64xf32, #tpu.memory_space<vmem>>, vector<16xf32>,
      tpu.vector_store %arg10[%swap3A_527, %swap3A_528], %mul3A_526 {strides = array<i32>} : memref<256x64xf32, #tpu.memory_space<vmem>>, vector<16xf32>,
      %gather3A_530 = tpu.vector_load_idx %arg18[%add3A_41, %broadcast_in_dim3A_483] : memref<64x128xf32, #tpu.memory_space<vmem>>[vector<16xi32>, vector<16xi32>], vector<16xf32>,
      %mul3A_531 = vector.broadcast %squeeze3A_485 : f32 to vector<16xf32>
      %mul3A_532 = arith.mulf %mul3A_531, %get3A_9 : vector<16xf32>
      %add3A_533 = arith.addf %mul3A_532, %add3A_29 : vector<16xf32>
      %mul3A_534 = arith.mulf %gather3A_530, %add3A_533 : vector<16xf32>
      %swap3A_535 = arith.index_cast %add3A_505 : i32 to index
      %swap3A_536 = arith.constant 48 : index
      %swap3A_537 = tpu.vector_load %arg10[%swap3A_535, %swap3A_536] {strides = array<i32>} : memref<256x64xf32, #tpu.memory_space<vmem>>, vector<16xf32>,
      tpu.vector_store %arg10[%swap3A_535, %swap3A_536], %mul3A_534 {strides = array<i32>} : memref<256x64xf32, #tpu.memory_space<vmem>>, vector<16xf32>,
      %slice3A_538 = vector.extract_strided_slice %shift_left3A_121 {offsets = [13], sizes = [1], strides = [1]} : vector<16xi32> to vector<1xi32>
      %squeeze3A_539 = vector.extract %slice3A_538[0] : i32 from vector<1xi32>
      %multiple_of3A_540 = tpu.assume_multiple %squeeze3A_539, 128 : i32
      %dma_start3A_541 = arith.constant 0 : i32
      %dma_start3A_542 = tpu.memref_slice %arg2[%dma_start3A_541, %multiple_of3A_540] : memref<64x1000000xf32, #tpu.memory_space<hbm>> -> memref<64x128xf32, #tpu.memory_space<hbm>>
      %dma_start3A_543 = arith.constant 0 : i32
      %dma_start3A_544 = tpu.memref_slice %arg2[%dma_start3A_543, %multiple_of3A_540] : memref<64x1000000xf32, #tpu.memory_space<hbm>> -> memref<64x128xf32, #tpu.memory_space<hbm>>
      tpu.enqueue_dma source(%dma_start3A_544 : memref<64x128xf32, #tpu.memory_space<hbm>>) target(%arg18 : memref<64x128xf32, #tpu.memory_space<vmem>>) target_semaphore(%arg26 : memref<!tpu.dma_semaphore, #tpu.memory_space<semaphore_mem>>)
      %dma_wait3A_545 = arith.constant 0 : i32
      %dma_wait3A_546 = arith.constant 0 : i32
      %dma_wait3A_547 = tpu.memref_slice %arg2[%dma_wait3A_545, %dma_wait3A_546] : memref<64x1000000xf32, #tpu.memory_space<hbm>> -> memref<64x128xf32, #tpu.memory_space<hbm>>
      %dma_wait3A_548 = arith.constant 0 : i32
      %dma_wait3A_549 = arith.constant 0 : i32
      %dma_wait3A_550 = tpu.memref_slice %arg2[%dma_wait3A_548, %dma_wait3A_549] : memref<64x1000000xf32, #tpu.memory_space<hbm>> -> memref<64x128xf32, #tpu.memory_space<hbm>>
      tpu.wait_dma2 semaphore(%arg27 : memref<!tpu.dma_semaphore, #tpu.memory_space<semaphore_mem>>) src(%dma_wait3A_550 : memref<64x128xf32, #tpu.memory_space<hbm>>) dst(%arg19 : memref<64x128xf32, #tpu.memory_space<vmem>>)
      %slice3A_551 = vector.extract_strided_slice %and3A_115 {offsets = [6], sizes = [1], strides = [1]} : vector<16xi32> to vector<1xi32>
      %squeeze3A_552 = vector.extract %slice3A_551[0] : i32 from vector<1xi32>
      %broadcast_in_dim3A_553 = vector.broadcast %squeeze3A_552 : i32 to vector<16xi32>
      %slice3A_554 = vector.extract_strided_slice %get3A_113 {offsets = [6], sizes = [1], strides = [1]} : vector<16xf32> to vector<1xf32>
      %squeeze3A_555 = vector.extract %slice3A_554[0] : f32 from vector<1xf32>
      %jit3A_556 = arith.constant 16 : i32
      %eq3A_557 = arith.constant 0 : i32
      %eq3A_558 = arith.cmpi eq, %jit3A_556, %eq3A_557 : i32
      %jit3A_559 = arith.constant 1 : i32
      %select_n3A_560 = arith.select %eq3A_558, %jit3A_559, %jit3A_556 : i32
      %rem3A_561 = arith.remsi %scan3A_105, %select_n3A_560 : i32
      %ne3A_562 = arith.constant 0 : i32
      %ne3A_563 = arith.cmpi ne, %rem3A_561, %ne3A_562 : i32
      %lt3A_564 = arith.constant 0 : i32
      %lt3A_565 = arith.cmpi slt, %rem3A_561, %lt3A_564 : i32
      %lt3A_566 = arith.constant 0 : i32
      %lt3A_567 = arith.cmpi slt, %select_n3A_560, %lt3A_566 : i32
      %ne3A_568 = arith.xori %lt3A_565, %lt3A_567 : i1
      %and3A_569 = arith.andi %ne3A_568, %ne3A_563 : i1
      %add3A_570 = arith.addi %rem3A_561, %select_n3A_560 : i32
      %select_n3A_571 = arith.select %and3A_569, %add3A_570, %rem3A_561 : i32
      %mul3A_572 = arith.constant 16 : i32
      %mul3A_573 = arith.muli %select_n3A_571, %mul3A_572 : i32
      %add3A_574 = arith.constant 6 : i32
      %add3A_575 = arith.addi %mul3A_573, %add3A_574 : i32
      %gather3A_576 = tpu.vector_load_idx %arg19[%add3A_32, %broadcast_in_dim3A_553] : memref<64x128xf32, #tpu.memory_space<vmem>>[vector<16xi32>, vector<16xi32>], vector<16xf32>,
      %mul3A_577 = vector.broadcast %squeeze3A_555 : f32 to vector<16xf32>
      %mul3A_578 = arith.mulf %mul3A_577, %get3A_3 : vector<16xf32>
      %add3A_579 = arith.addf %mul3A_578, %add3A_14 : vector<16xf32>
      %mul3A_580 = arith.mulf %gather3A_576, %add3A_579 : vector<16xf32>
      %swap3A_581 = arith.index_cast %add3A_575 : i32 to index
      %swap3A_582 = arith.constant 0 : index
      %swap3A_583 = tpu.vector_load %arg10[%swap3A_581, %swap3A_582] {strides = array<i32>} : memref<256x64xf32, #tpu.memory_space<vmem>>, vector<16xf32>,
      tpu.vector_store %arg10[%swap3A_581, %swap3A_582], %mul3A_580 {strides = array<i32>} : memref<256x64xf32, #tpu.memory_space<vmem>>, vector<16xf32>,
      %gather3A_584 = tpu.vector_load_idx %arg19[%add3A_35, %broadcast_in_dim3A_553] : memref<64x128xf32, #tpu.memory_space<vmem>>[vector<16xi32>, vector<16xi32>], vector<16xf32>,
      %mul3A_585 = vector.broadcast %squeeze3A_555 : f32 to vector<16xf32>
      %mul3A_586 = arith.mulf %mul3A_585, %get3A_5 : vector<16xf32>
      %add3A_587 = arith.addf %mul3A_586, %add3A_19 : vector<16xf32>
      %mul3A_588 = arith.mulf %gather3A_584, %add3A_587 : vector<16xf32>
      %swap3A_589 = arith.index_cast %add3A_575 : i32 to index
      %swap3A_590 = arith.constant 16 : index
      %swap3A_591 = tpu.vector_load %arg10[%swap3A_589, %swap3A_590] {strides = array<i32>} : memref<256x64xf32, #tpu.memory_space<vmem>>, vector<16xf32>,
      tpu.vector_store %arg10[%swap3A_589, %swap3A_590], %mul3A_588 {strides = array<i32>} : memref<256x64xf32, #tpu.memory_space<vmem>>, vector<16xf32>,
      %gather3A_592 = tpu.vector_load_idx %arg19[%add3A_38, %broadcast_in_dim3A_553] : memref<64x128xf32, #tpu.memory_space<vmem>>[vector<16xi32>, vector<16xi32>], vector<16xf32>,
      %mul3A_593 = vector.broadcast %squeeze3A_555 : f32 to vector<16xf32>
      %mul3A_594 = arith.mulf %mul3A_593, %get3A_7 : vector<16xf32>
      %add3A_595 = arith.addf %mul3A_594, %add3A_24 : vector<16xf32>
      %mul3A_596 = arith.mulf %gather3A_592, %add3A_595 : vector<16xf32>
      %swap3A_597 = arith.index_cast %add3A_575 : i32 to index
      %swap3A_598 = arith.constant 32 : index
      %swap3A_599 = tpu.vector_load %arg10[%swap3A_597, %swap3A_598] {strides = array<i32>} : memref<256x64xf32, #tpu.memory_space<vmem>>, vector<16xf32>,
      tpu.vector_store %arg10[%swap3A_597, %swap3A_598], %mul3A_596 {strides = array<i32>} : memref<256x64xf32, #tpu.memory_space<vmem>>, vector<16xf32>,
      %gather3A_600 = tpu.vector_load_idx %arg19[%add3A_41, %broadcast_in_dim3A_553] : memref<64x128xf32, #tpu.memory_space<vmem>>[vector<16xi32>, vector<16xi32>], vector<16xf32>,
      %mul3A_601 = vector.broadcast %squeeze3A_555 : f32 to vector<16xf32>
      %mul3A_602 = arith.mulf %mul3A_601, %get3A_9 : vector<16xf32>
      %add3A_603 = arith.addf %mul3A_602, %add3A_29 : vector<16xf32>
      %mul3A_604 = arith.mulf %gather3A_600, %add3A_603 : vector<16xf32>
      %swap3A_605 = arith.index_cast %add3A_575 : i32 to index
      %swap3A_606 = arith.constant 48 : index
      %swap3A_607 = tpu.vector_load %arg10[%swap3A_605, %swap3A_606] {strides = array<i32>} : memref<256x64xf32, #tpu.memory_space<vmem>>, vector<16xf32>,
      tpu.vector_store %arg10[%swap3A_605, %swap3A_606], %mul3A_604 {strides = array<i32>} : memref<256x64xf32, #tpu.memory_space<vmem>>, vector<16xf32>,
      %slice3A_608 = vector.extract_strided_slice %shift_left3A_121 {offsets = [14], sizes = [1], strides = [1]} : vector<16xi32> to vector<1xi32>
      %squeeze3A_609 = vector.extract %slice3A_608[0] : i32 from vector<1xi32>
      %multiple_of3A_610 = tpu.assume_multiple %squeeze3A_609, 128 : i32
      %dma_start3A_611 = arith.constant 0 : i32
      %dma_start3A_612 = tpu.memref_slice %arg2[%dma_start3A_611, %multiple_of3A_610] : memref<64x1000000xf32, #tpu.memory_space<hbm>> -> memref<64x128xf32, #tpu.memory_space<hbm>>
      %dma_start3A_613 = arith.constant 0 : i32
      %dma_start3A_614 = tpu.memref_slice %arg2[%dma_start3A_613, %multiple_of3A_610] : memref<64x1000000xf32, #tpu.memory_space<hbm>> -> memref<64x128xf32, #tpu.memory_space<hbm>>
      tpu.enqueue_dma source(%dma_start3A_614 : memref<64x128xf32, #tpu.memory_space<hbm>>) target(%arg19 : memref<64x128xf32, #tpu.memory_space<vmem>>) target_semaphore(%arg27 : memref<!tpu.dma_semaphore, #tpu.memory_space<semaphore_mem>>)
      %dma_wait3A_615 = arith.constant 0 : i32
      %dma_wait3A_616 = arith.constant 0 : i32
      %dma_wait3A_617 = tpu.memref_slice %arg2[%dma_wait3A_615, %dma_wait3A_616] : memref<64x1000000xf32, #tpu.memory_space<hbm>> -> memref<64x128xf32, #tpu.memory_space<hbm>>
      %dma_wait3A_618 = arith.constant 0 : i32
      %dma_wait3A_619 = arith.constant 0 : i32
      %dma_wait3A_620 = tpu.memref_slice %arg2[%dma_wait3A_618, %dma_wait3A_619] : memref<64x1000000xf32, #tpu.memory_space<hbm>> -> memref<64x128xf32, #tpu.memory_space<hbm>>
      tpu.wait_dma2 semaphore(%arg28 : memref<!tpu.dma_semaphore, #tpu.memory_space<semaphore_mem>>) src(%dma_wait3A_620 : memref<64x128xf32, #tpu.memory_space<hbm>>) dst(%arg20 : memref<64x128xf32, #tpu.memory_space<vmem>>)
      %slice3A_621 = vector.extract_strided_slice %and3A_115 {offsets = [7], sizes = [1], strides = [1]} : vector<16xi32> to vector<1xi32>
      %squeeze3A_622 = vector.extract %slice3A_621[0] : i32 from vector<1xi32>
      %broadcast_in_dim3A_623 = vector.broadcast %squeeze3A_622 : i32 to vector<16xi32>
      %slice3A_624 = vector.extract_strided_slice %get3A_113 {offsets = [7], sizes = [1], strides = [1]} : vector<16xf32> to vector<1xf32>
      %squeeze3A_625 = vector.extract %slice3A_624[0] : f32 from vector<1xf32>
      %jit3A_626 = arith.constant 16 : i32
      %eq3A_627 = arith.constant 0 : i32
      %eq3A_628 = arith.cmpi eq, %jit3A_626, %eq3A_627 : i32
      %jit3A_629 = arith.constant 1 : i32
      %select_n3A_630 = arith.select %eq3A_628, %jit3A_629, %jit3A_626 : i32
      %rem3A_631 = arith.remsi %scan3A_105, %select_n3A_630 : i32
      %ne3A_632 = arith.constant 0 : i32
      %ne3A_633 = arith.cmpi ne, %rem3A_631, %ne3A_632 : i32
      %lt3A_634 = arith.constant 0 : i32
      %lt3A_635 = arith.cmpi slt, %rem3A_631, %lt3A_634 : i32
      %lt3A_636 = arith.constant 0 : i32
      %lt3A_637 = arith.cmpi slt, %select_n3A_630, %lt3A_636 : i32
      %ne3A_638 = arith.xori %lt3A_635, %lt3A_637 : i1
      %and3A_639 = arith.andi %ne3A_638, %ne3A_633 : i1
      %add3A_640 = arith.addi %rem3A_631, %select_n3A_630 : i32
      %select_n3A_641 = arith.select %and3A_639, %add3A_640, %rem3A_631 : i32
      %mul3A_642 = arith.constant 16 : i32
      %mul3A_643 = arith.muli %select_n3A_641, %mul3A_642 : i32
      %add3A_644 = arith.constant 7 : i32
      %add3A_645 = arith.addi %mul3A_643, %add3A_644 : i32
      %gather3A_646 = tpu.vector_load_idx %arg20[%add3A_32, %broadcast_in_dim3A_623] : memref<64x128xf32, #tpu.memory_space<vmem>>[vector<16xi32>, vector<16xi32>], vector<16xf32>,
      %mul3A_647 = vector.broadcast %squeeze3A_625 : f32 to vector<16xf32>
      %mul3A_648 = arith.mulf %mul3A_647, %get3A_3 : vector<16xf32>
      %add3A_649 = arith.addf %mul3A_648, %add3A_14 : vector<16xf32>
      %mul3A_650 = arith.mulf %gather3A_646, %add3A_649 : vector<16xf32>
      %swap3A_651 = arith.index_cast %add3A_645 : i32 to index
      %swap3A_652 = arith.constant 0 : index
      %swap3A_653 = tpu.vector_load %arg10[%swap3A_651, %swap3A_652] {strides = array<i32>} : memref<256x64xf32, #tpu.memory_space<vmem>>, vector<16xf32>,
      tpu.vector_store %arg10[%swap3A_651, %swap3A_652], %mul3A_650 {strides = array<i32>} : memref<256x64xf32, #tpu.memory_space<vmem>>, vector<16xf32>,
      %gather3A_654 = tpu.vector_load_idx %arg20[%add3A_35, %broadcast_in_dim3A_623] : memref<64x128xf32, #tpu.memory_space<vmem>>[vector<16xi32>, vector<16xi32>], vector<16xf32>,
      %mul3A_655 = vector.broadcast %squeeze3A_625 : f32 to vector<16xf32>
      %mul3A_656 = arith.mulf %mul3A_655, %get3A_5 : vector<16xf32>
      %add3A_657 = arith.addf %mul3A_656, %add3A_19 : vector<16xf32>
      %mul3A_658 = arith.mulf %gather3A_654, %add3A_657 : vector<16xf32>
      %swap3A_659 = arith.index_cast %add3A_645 : i32 to index
      %swap3A_660 = arith.constant 16 : index
      %swap3A_661 = tpu.vector_load %arg10[%swap3A_659, %swap3A_660] {strides = array<i32>} : memref<256x64xf32, #tpu.memory_space<vmem>>, vector<16xf32>,
      tpu.vector_store %arg10[%swap3A_659, %swap3A_660], %mul3A_658 {strides = array<i32>} : memref<256x64xf32, #tpu.memory_space<vmem>>, vector<16xf32>,
      %gather3A_662 = tpu.vector_load_idx %arg20[%add3A_38, %broadcast_in_dim3A_623] : memref<64x128xf32, #tpu.memory_space<vmem>>[vector<16xi32>, vector<16xi32>], vector<16xf32>,
      %mul3A_663 = vector.broadcast %squeeze3A_625 : f32 to vector<16xf32>
      %mul3A_664 = arith.mulf %mul3A_663, %get3A_7 : vector<16xf32>
      %add3A_665 = arith.addf %mul3A_664, %add3A_24 : vector<16xf32>
      %mul3A_666 = arith.mulf %gather3A_662, %add3A_665 : vector<16xf32>
      %swap3A_667 = arith.index_cast %add3A_645 : i32 to index
      %swap3A_668 = arith.constant 32 : index
      %swap3A_669 = tpu.vector_load %arg10[%swap3A_667, %swap3A_668] {strides = array<i32>} : memref<256x64xf32, #tpu.memory_space<vmem>>, vector<16xf32>,
      tpu.vector_store %arg10[%swap3A_667, %swap3A_668], %mul3A_666 {strides = array<i32>} : memref<256x64xf32, #tpu.memory_space<vmem>>, vector<16xf32>,
      %gather3A_670 = tpu.vector_load_idx %arg20[%add3A_41, %broadcast_in_dim3A_623] : memref<64x128xf32, #tpu.memory_space<vmem>>[vector<16xi32>, vector<16xi32>], vector<16xf32>,
      %mul3A_671 = vector.broadcast %squeeze3A_625 : f32 to vector<16xf32>
      %mul3A_672 = arith.mulf %mul3A_671, %get3A_9 : vector<16xf32>
      %add3A_673 = arith.addf %mul3A_672, %add3A_29 : vector<16xf32>
      %mul3A_674 = arith.mulf %gather3A_670, %add3A_673 : vector<16xf32>
      %swap3A_675 = arith.index_cast %add3A_645 : i32 to index
      %swap3A_676 = arith.constant 48 : index
      %swap3A_677 = tpu.vector_load %arg10[%swap3A_675, %swap3A_676] {strides = array<i32>} : memref<256x64xf32, #tpu.memory_space<vmem>>, vector<16xf32>,
      tpu.vector_store %arg10[%swap3A_675, %swap3A_676], %mul3A_674 {strides = array<i32>} : memref<256x64xf32, #tpu.memory_space<vmem>>, vector<16xf32>,
      %slice3A_678 = vector.extract_strided_slice %shift_left3A_121 {offsets = [15], sizes = [1], strides = [1]} : vector<16xi32> to vector<1xi32>
      %squeeze3A_679 = vector.extract %slice3A_678[0] : i32 from vector<1xi32>
      %multiple_of3A_680 = tpu.assume_multiple %squeeze3A_679, 128 : i32
      %dma_start3A_681 = arith.constant 0 : i32
      %dma_start3A_682 = tpu.memref_slice %arg2[%dma_start3A_681, %multiple_of3A_680] : memref<64x1000000xf32, #tpu.memory_space<hbm>> -> memref<64x128xf32, #tpu.memory_space<hbm>>
      %dma_start3A_683 = arith.constant 0 : i32
      %dma_start3A_684 = tpu.memref_slice %arg2[%dma_start3A_683, %multiple_of3A_680] : memref<64x1000000xf32, #tpu.memory_space<hbm>> -> memref<64x128xf32, #tpu.memory_space<hbm>>
      tpu.enqueue_dma source(%dma_start3A_684 : memref<64x128xf32, #tpu.memory_space<hbm>>) target(%arg20 : memref<64x128xf32, #tpu.memory_space<vmem>>) target_semaphore(%arg28 : memref<!tpu.dma_semaphore, #tpu.memory_space<semaphore_mem>>)
      %dma_wait3A_685 = arith.constant 0 : i32
      %dma_wait3A_686 = arith.constant 0 : i32
      %dma_wait3A_687 = tpu.memref_slice %arg2[%dma_wait3A_685, %dma_wait3A_686] : memref<64x1000000xf32, #tpu.memory_space<hbm>> -> memref<64x128xf32, #tpu.memory_space<hbm>>
      %dma_wait3A_688 = arith.constant 0 : i32
      %dma_wait3A_689 = arith.constant 0 : i32
      %dma_wait3A_690 = tpu.memref_slice %arg2[%dma_wait3A_688, %dma_wait3A_689] : memref<64x1000000xf32, #tpu.memory_space<hbm>> -> memref<64x128xf32, #tpu.memory_space<hbm>>
      tpu.wait_dma2 semaphore(%arg21 : memref<!tpu.dma_semaphore, #tpu.memory_space<semaphore_mem>>) src(%dma_wait3A_690 : memref<64x128xf32, #tpu.memory_space<hbm>>) dst(%arg13 : memref<64x128xf32, #tpu.memory_space<vmem>>)
      %slice3A_691 = vector.extract_strided_slice %and3A_115 {offsets = [8], sizes = [1], strides = [1]} : vector<16xi32> to vector<1xi32>
      %squeeze3A_692 = vector.extract %slice3A_691[0] : i32 from vector<1xi32>
      %broadcast_in_dim3A_693 = vector.broadcast %squeeze3A_692 : i32 to vector<16xi32>
      %slice3A_694 = vector.extract_strided_slice %get3A_113 {offsets = [8], sizes = [1], strides = [1]} : vector<16xf32> to vector<1xf32>
      %squeeze3A_695 = vector.extract %slice3A_694[0] : f32 from vector<1xf32>
      %jit3A_696 = arith.constant 16 : i32
      %eq3A_697 = arith.constant 0 : i32
      %eq3A_698 = arith.cmpi eq, %jit3A_696, %eq3A_697 : i32
      %jit3A_699 = arith.constant 1 : i32
      %select_n3A_700 = arith.select %eq3A_698, %jit3A_699, %jit3A_696 : i32
      %rem3A_701 = arith.remsi %scan3A_105, %select_n3A_700 : i32
      %ne3A_702 = arith.constant 0 : i32
      %ne3A_703 = arith.cmpi ne, %rem3A_701, %ne3A_702 : i32
      %lt3A_704 = arith.constant 0 : i32
      %lt3A_705 = arith.cmpi slt, %rem3A_701, %lt3A_704 : i32
      %lt3A_706 = arith.constant 0 : i32
      %lt3A_707 = arith.cmpi slt, %select_n3A_700, %lt3A_706 : i32
      %ne3A_708 = arith.xori %lt3A_705, %lt3A_707 : i1
      %and3A_709 = arith.andi %ne3A_708, %ne3A_703 : i1
      %add3A_710 = arith.addi %rem3A_701, %select_n3A_700 : i32
      %select_n3A_711 = arith.select %and3A_709, %add3A_710, %rem3A_701 : i32
      %mul3A_712 = arith.constant 16 : i32
      %mul3A_713 = arith.muli %select_n3A_711, %mul3A_712 : i32
      %add3A_714 = arith.constant 8 : i32
      %add3A_715 = arith.addi %mul3A_713, %add3A_714 : i32
      %gather3A_716 = tpu.vector_load_idx %arg13[%add3A_32, %broadcast_in_dim3A_693] : memref<64x128xf32, #tpu.memory_space<vmem>>[vector<16xi32>, vector<16xi32>], vector<16xf32>,
      %mul3A_717 = vector.broadcast %squeeze3A_695 : f32 to vector<16xf32>
      %mul3A_718 = arith.mulf %mul3A_717, %get3A_3 : vector<16xf32>
      %add3A_719 = arith.addf %mul3A_718, %add3A_14 : vector<16xf32>
      %mul3A_720 = arith.mulf %gather3A_716, %add3A_719 : vector<16xf32>
      %swap3A_721 = arith.index_cast %add3A_715 : i32 to index
      %swap3A_722 = arith.constant 0 : index
      %swap3A_723 = tpu.vector_load %arg10[%swap3A_721, %swap3A_722] {strides = array<i32>} : memref<256x64xf32, #tpu.memory_space<vmem>>, vector<16xf32>,
      tpu.vector_store %arg10[%swap3A_721, %swap3A_722], %mul3A_720 {strides = array<i32>} : memref<256x64xf32, #tpu.memory_space<vmem>>, vector<16xf32>,
      %gather3A_724 = tpu.vector_load_idx %arg13[%add3A_35, %broadcast_in_dim3A_693] : memref<64x128xf32, #tpu.memory_space<vmem>>[vector<16xi32>, vector<16xi32>], vector<16xf32>,
      %mul3A_725 = vector.broadcast %squeeze3A_695 : f32 to vector<16xf32>
      %mul3A_726 = arith.mulf %mul3A_725, %get3A_5 : vector<16xf32>
      %add3A_727 = arith.addf %mul3A_726, %add3A_19 : vector<16xf32>
      %mul3A_728 = arith.mulf %gather3A_724, %add3A_727 : vector<16xf32>
      %swap3A_729 = arith.index_cast %add3A_715 : i32 to index
      %swap3A_730 = arith.constant 16 : index
      %swap3A_731 = tpu.vector_load %arg10[%swap3A_729, %swap3A_730] {strides = array<i32>} : memref<256x64xf32, #tpu.memory_space<vmem>>, vector<16xf32>,
      tpu.vector_store %arg10[%swap3A_729, %swap3A_730], %mul3A_728 {strides = array<i32>} : memref<256x64xf32, #tpu.memory_space<vmem>>, vector<16xf32>,
      %gather3A_732 = tpu.vector_load_idx %arg13[%add3A_38, %broadcast_in_dim3A_693] : memref<64x128xf32, #tpu.memory_space<vmem>>[vector<16xi32>, vector<16xi32>], vector<16xf32>,
      %mul3A_733 = vector.broadcast %squeeze3A_695 : f32 to vector<16xf32>
      %mul3A_734 = arith.mulf %mul3A_733, %get3A_7 : vector<16xf32>
      %add3A_735 = arith.addf %mul3A_734, %add3A_24 : vector<16xf32>
      %mul3A_736 = arith.mulf %gather3A_732, %add3A_735 : vector<16xf32>
      %swap3A_737 = arith.index_cast %add3A_715 : i32 to index
      %swap3A_738 = arith.constant 32 : index
      %swap3A_739 = tpu.vector_load %arg10[%swap3A_737, %swap3A_738] {strides = array<i32>} : memref<256x64xf32, #tpu.memory_space<vmem>>, vector<16xf32>,
      tpu.vector_store %arg10[%swap3A_737, %swap3A_738], %mul3A_736 {strides = array<i32>} : memref<256x64xf32, #tpu.memory_space<vmem>>, vector<16xf32>,
      %gather3A_740 = tpu.vector_load_idx %arg13[%add3A_41, %broadcast_in_dim3A_693] : memref<64x128xf32, #tpu.memory_space<vmem>>[vector<16xi32>, vector<16xi32>], vector<16xf32>,
      %mul3A_741 = vector.broadcast %squeeze3A_695 : f32 to vector<16xf32>
      %mul3A_742 = arith.mulf %mul3A_741, %get3A_9 : vector<16xf32>
      %add3A_743 = arith.addf %mul3A_742, %add3A_29 : vector<16xf32>
      %mul3A_744 = arith.mulf %gather3A_740, %add3A_743 : vector<16xf32>
      %swap3A_745 = arith.index_cast %add3A_715 : i32 to index
      %swap3A_746 = arith.constant 48 : index
      %swap3A_747 = tpu.vector_load %arg10[%swap3A_745, %swap3A_746] {strides = array<i32>} : memref<256x64xf32, #tpu.memory_space<vmem>>, vector<16xf32>,
      tpu.vector_store %arg10[%swap3A_745, %swap3A_746], %mul3A_744 {strides = array<i32>} : memref<256x64xf32, #tpu.memory_space<vmem>>, vector<16xf32>,
      %add3A_748 = arith.constant 1 : i32
      %add3A_749 = arith.addi %scan3A_105, %add3A_748 : i32
      %lt3A_750 = arith.constant 32 : i32
      %lt3A_751 = arith.cmpi slt, %add3A_749, %lt3A_750 : i32
      %convert_element_type3A = arith.extui %lt3A_751 : i1 to i32
      %cond3A = arith.constant 0 : i32
      %cond3A_752 = arith.cmpi ne, %convert_element_type3A, %cond3A : i32
      scf.if %cond3A_752 {
        %slice3A_1264 = vector.extract_strided_slice %shift_left3A_134 {offsets = [0], sizes = [1], strides = [1]} : vector<16xi32> to vector<1xi32>
        %squeeze3A_1265 = vector.extract %slice3A_1264[0] : i32 from vector<1xi32>
        %multiple_of3A_1266 = tpu.assume_multiple %squeeze3A_1265, 128 : i32
        %dma_start3A_1267 = arith.constant 0 : i32
        %dma_start3A_1268 = tpu.memref_slice %arg2[%dma_start3A_1267, %multiple_of3A_1266] : memref<64x1000000xf32, #tpu.memory_space<hbm>> -> memref<64x128xf32, #tpu.memory_space<hbm>>
        %dma_start3A_1269 = arith.constant 0 : i32
        %dma_start3A_1270 = tpu.memref_slice %arg2[%dma_start3A_1269, %multiple_of3A_1266] : memref<64x1000000xf32, #tpu.memory_space<hbm>> -> memref<64x128xf32, #tpu.memory_space<hbm>>
        tpu.enqueue_dma source(%dma_start3A_1270 : memref<64x128xf32, #tpu.memory_space<hbm>>) target(%arg13 : memref<64x128xf32, #tpu.memory_space<vmem>>) target_semaphore(%arg21 : memref<!tpu.dma_semaphore, #tpu.memory_space<semaphore_mem>>)
      } else {
      }
      %dma_wait3A_753 = arith.constant 0 : i32
      %dma_wait3A_754 = arith.constant 0 : i32
      %dma_wait3A_755 = tpu.memref_slice %arg2[%dma_wait3A_753, %dma_wait3A_754] : memref<64x1000000xf32, #tpu.memory_space<hbm>> -> memref<64x128xf32, #tpu.memory_space<hbm>>
      %dma_wait3A_756 = arith.constant 0 : i32
      %dma_wait3A_757 = arith.constant 0 : i32
      %dma_wait3A_758 = tpu.memref_slice %arg2[%dma_wait3A_756, %dma_wait3A_757] : memref<64x1000000xf32, #tpu.memory_space<hbm>> -> memref<64x128xf32, #tpu.memory_space<hbm>>
      tpu.wait_dma2 semaphore(%arg22 : memref<!tpu.dma_semaphore, #tpu.memory_space<semaphore_mem>>) src(%dma_wait3A_758 : memref<64x128xf32, #tpu.memory_space<hbm>>) dst(%arg14 : memref<64x128xf32, #tpu.memory_space<vmem>>)
      %slice3A_759 = vector.extract_strided_slice %and3A_115 {offsets = [9], sizes = [1], strides = [1]} : vector<16xi32> to vector<1xi32>
      %squeeze3A_760 = vector.extract %slice3A_759[0] : i32 from vector<1xi32>
      %broadcast_in_dim3A_761 = vector.broadcast %squeeze3A_760 : i32 to vector<16xi32>
      %slice3A_762 = vector.extract_strided_slice %get3A_113 {offsets = [9], sizes = [1], strides = [1]} : vector<16xf32> to vector<1xf32>
      %squeeze3A_763 = vector.extract %slice3A_762[0] : f32 from vector<1xf32>
      %jit3A_764 = arith.constant 16 : i32
      %eq3A_765 = arith.constant 0 : i32
      %eq3A_766 = arith.cmpi eq, %jit3A_764, %eq3A_765 : i32
      %jit3A_767 = arith.constant 1 : i32
      %select_n3A_768 = arith.select %eq3A_766, %jit3A_767, %jit3A_764 : i32
      %rem3A_769 = arith.remsi %scan3A_105, %select_n3A_768 : i32
      %ne3A_770 = arith.constant 0 : i32
      %ne3A_771 = arith.cmpi ne, %rem3A_769, %ne3A_770 : i32
      %lt3A_772 = arith.constant 0 : i32
      %lt3A_773 = arith.cmpi slt, %rem3A_769, %lt3A_772 : i32
      %lt3A_774 = arith.constant 0 : i32
      %lt3A_775 = arith.cmpi slt, %select_n3A_768, %lt3A_774 : i32
      %ne3A_776 = arith.xori %lt3A_773, %lt3A_775 : i1
      %and3A_777 = arith.andi %ne3A_776, %ne3A_771 : i1
      %add3A_778 = arith.addi %rem3A_769, %select_n3A_768 : i32
      %select_n3A_779 = arith.select %and3A_777, %add3A_778, %rem3A_769 : i32
      %mul3A_780 = arith.constant 16 : i32
      %mul3A_781 = arith.muli %select_n3A_779, %mul3A_780 : i32
      %add3A_782 = arith.constant 9 : i32
      %add3A_783 = arith.addi %mul3A_781, %add3A_782 : i32
      %gather3A_784 = tpu.vector_load_idx %arg14[%add3A_32, %broadcast_in_dim3A_761] : memref<64x128xf32, #tpu.memory_space<vmem>>[vector<16xi32>, vector<16xi32>], vector<16xf32>,
      %mul3A_785 = vector.broadcast %squeeze3A_763 : f32 to vector<16xf32>
      %mul3A_786 = arith.mulf %mul3A_785, %get3A_3 : vector<16xf32>
      %add3A_787 = arith.addf %mul3A_786, %add3A_14 : vector<16xf32>
      %mul3A_788 = arith.mulf %gather3A_784, %add3A_787 : vector<16xf32>
      %swap3A_789 = arith.index_cast %add3A_783 : i32 to index
      %swap3A_790 = arith.constant 0 : index
      %swap3A_791 = tpu.vector_load %arg10[%swap3A_789, %swap3A_790] {strides = array<i32>} : memref<256x64xf32, #tpu.memory_space<vmem>>, vector<16xf32>,
      tpu.vector_store %arg10[%swap3A_789, %swap3A_790], %mul3A_788 {strides = array<i32>} : memref<256x64xf32, #tpu.memory_space<vmem>>, vector<16xf32>,
      %gather3A_792 = tpu.vector_load_idx %arg14[%add3A_35, %broadcast_in_dim3A_761] : memref<64x128xf32, #tpu.memory_space<vmem>>[vector<16xi32>, vector<16xi32>], vector<16xf32>,
      %mul3A_793 = vector.broadcast %squeeze3A_763 : f32 to vector<16xf32>
      %mul3A_794 = arith.mulf %mul3A_793, %get3A_5 : vector<16xf32>
      %add3A_795 = arith.addf %mul3A_794, %add3A_19 : vector<16xf32>
      %mul3A_796 = arith.mulf %gather3A_792, %add3A_795 : vector<16xf32>
      %swap3A_797 = arith.index_cast %add3A_783 : i32 to index
      %swap3A_798 = arith.constant 16 : index
      %swap3A_799 = tpu.vector_load %arg10[%swap3A_797, %swap3A_798] {strides = array<i32>} : memref<256x64xf32, #tpu.memory_space<vmem>>, vector<16xf32>,
      tpu.vector_store %arg10[%swap3A_797, %swap3A_798], %mul3A_796 {strides = array<i32>} : memref<256x64xf32, #tpu.memory_space<vmem>>, vector<16xf32>,
      %gather3A_800 = tpu.vector_load_idx %arg14[%add3A_38, %broadcast_in_dim3A_761] : memref<64x128xf32, #tpu.memory_space<vmem>>[vector<16xi32>, vector<16xi32>], vector<16xf32>,
      %mul3A_801 = vector.broadcast %squeeze3A_763 : f32 to vector<16xf32>
      %mul3A_802 = arith.mulf %mul3A_801, %get3A_7 : vector<16xf32>
      %add3A_803 = arith.addf %mul3A_802, %add3A_24 : vector<16xf32>
      %mul3A_804 = arith.mulf %gather3A_800, %add3A_803 : vector<16xf32>
      %swap3A_805 = arith.index_cast %add3A_783 : i32 to index
      %swap3A_806 = arith.constant 32 : index
      %swap3A_807 = tpu.vector_load %arg10[%swap3A_805, %swap3A_806] {strides = array<i32>} : memref<256x64xf32, #tpu.memory_space<vmem>>, vector<16xf32>,
      tpu.vector_store %arg10[%swap3A_805, %swap3A_806], %mul3A_804 {strides = array<i32>} : memref<256x64xf32, #tpu.memory_space<vmem>>, vector<16xf32>,
      %gather3A_808 = tpu.vector_load_idx %arg14[%add3A_41, %broadcast_in_dim3A_761] : memref<64x128xf32, #tpu.memory_space<vmem>>[vector<16xi32>, vector<16xi32>], vector<16xf32>,
      %mul3A_809 = vector.broadcast %squeeze3A_763 : f32 to vector<16xf32>
      %mul3A_810 = arith.mulf %mul3A_809, %get3A_9 : vector<16xf32>
      %add3A_811 = arith.addf %mul3A_810, %add3A_29 : vector<16xf32>
      %mul3A_812 = arith.mulf %gather3A_808, %add3A_811 : vector<16xf32>
      %swap3A_813 = arith.index_cast %add3A_783 : i32 to index
      %swap3A_814 = arith.constant 48 : index
      %swap3A_815 = tpu.vector_load %arg10[%swap3A_813, %swap3A_814] {strides = array<i32>} : memref<256x64xf32, #tpu.memory_space<vmem>>, vector<16xf32>,
      tpu.vector_store %arg10[%swap3A_813, %swap3A_814], %mul3A_812 {strides = array<i32>} : memref<256x64xf32, #tpu.memory_space<vmem>>, vector<16xf32>,
      %add3A_816 = arith.constant 1 : i32
      %add3A_817 = arith.addi %scan3A_105, %add3A_816 : i32
      %lt3A_818 = arith.constant 32 : i32
      %lt3A_819 = arith.cmpi slt, %add3A_817, %lt3A_818 : i32
      %convert_element_type3A_820 = arith.extui %lt3A_819 : i1 to i32
      %cond3A_821 = arith.constant 0 : i32
      %cond3A_822 = arith.cmpi ne, %convert_element_type3A_820, %cond3A_821 : i32
      scf.if %cond3A_822 {
        %slice3A_1264 = vector.extract_strided_slice %shift_left3A_134 {offsets = [1], sizes = [1], strides = [1]} : vector<16xi32> to vector<1xi32>
        %squeeze3A_1265 = vector.extract %slice3A_1264[0] : i32 from vector<1xi32>
        %multiple_of3A_1266 = tpu.assume_multiple %squeeze3A_1265, 128 : i32
        %dma_start3A_1267 = arith.constant 0 : i32
        %dma_start3A_1268 = tpu.memref_slice %arg2[%dma_start3A_1267, %multiple_of3A_1266] : memref<64x1000000xf32, #tpu.memory_space<hbm>> -> memref<64x128xf32, #tpu.memory_space<hbm>>
        %dma_start3A_1269 = arith.constant 0 : i32
        %dma_start3A_1270 = tpu.memref_slice %arg2[%dma_start3A_1269, %multiple_of3A_1266] : memref<64x1000000xf32, #tpu.memory_space<hbm>> -> memref<64x128xf32, #tpu.memory_space<hbm>>
        tpu.enqueue_dma source(%dma_start3A_1270 : memref<64x128xf32, #tpu.memory_space<hbm>>) target(%arg14 : memref<64x128xf32, #tpu.memory_space<vmem>>) target_semaphore(%arg22 : memref<!tpu.dma_semaphore, #tpu.memory_space<semaphore_mem>>)
      } else {
      }
      %dma_wait3A_823 = arith.constant 0 : i32
      %dma_wait3A_824 = arith.constant 0 : i32
      %dma_wait3A_825 = tpu.memref_slice %arg2[%dma_wait3A_823, %dma_wait3A_824] : memref<64x1000000xf32, #tpu.memory_space<hbm>> -> memref<64x128xf32, #tpu.memory_space<hbm>>
      %dma_wait3A_826 = arith.constant 0 : i32
      %dma_wait3A_827 = arith.constant 0 : i32
      %dma_wait3A_828 = tpu.memref_slice %arg2[%dma_wait3A_826, %dma_wait3A_827] : memref<64x1000000xf32, #tpu.memory_space<hbm>> -> memref<64x128xf32, #tpu.memory_space<hbm>>
      tpu.wait_dma2 semaphore(%arg23 : memref<!tpu.dma_semaphore, #tpu.memory_space<semaphore_mem>>) src(%dma_wait3A_828 : memref<64x128xf32, #tpu.memory_space<hbm>>) dst(%arg15 : memref<64x128xf32, #tpu.memory_space<vmem>>)
      %slice3A_829 = vector.extract_strided_slice %and3A_115 {offsets = [10], sizes = [1], strides = [1]} : vector<16xi32> to vector<1xi32>
      %squeeze3A_830 = vector.extract %slice3A_829[0] : i32 from vector<1xi32>
      %broadcast_in_dim3A_831 = vector.broadcast %squeeze3A_830 : i32 to vector<16xi32>
      %slice3A_832 = vector.extract_strided_slice %get3A_113 {offsets = [10], sizes = [1], strides = [1]} : vector<16xf32> to vector<1xf32>
      %squeeze3A_833 = vector.extract %slice3A_832[0] : f32 from vector<1xf32>
      %jit3A_834 = arith.constant 16 : i32
      %eq3A_835 = arith.constant 0 : i32
      %eq3A_836 = arith.cmpi eq, %jit3A_834, %eq3A_835 : i32
      %jit3A_837 = arith.constant 1 : i32
      %select_n3A_838 = arith.select %eq3A_836, %jit3A_837, %jit3A_834 : i32
      %rem3A_839 = arith.remsi %scan3A_105, %select_n3A_838 : i32
      %ne3A_840 = arith.constant 0 : i32
      %ne3A_841 = arith.cmpi ne, %rem3A_839, %ne3A_840 : i32
      %lt3A_842 = arith.constant 0 : i32
      %lt3A_843 = arith.cmpi slt, %rem3A_839, %lt3A_842 : i32
      %lt3A_844 = arith.constant 0 : i32
      %lt3A_845 = arith.cmpi slt, %select_n3A_838, %lt3A_844 : i32
      %ne3A_846 = arith.xori %lt3A_843, %lt3A_845 : i1
      %and3A_847 = arith.andi %ne3A_846, %ne3A_841 : i1
      %add3A_848 = arith.addi %rem3A_839, %select_n3A_838 : i32
      %select_n3A_849 = arith.select %and3A_847, %add3A_848, %rem3A_839 : i32
      %mul3A_850 = arith.constant 16 : i32
      %mul3A_851 = arith.muli %select_n3A_849, %mul3A_850 : i32
      %add3A_852 = arith.constant 10 : i32
      %add3A_853 = arith.addi %mul3A_851, %add3A_852 : i32
      %gather3A_854 = tpu.vector_load_idx %arg15[%add3A_32, %broadcast_in_dim3A_831] : memref<64x128xf32, #tpu.memory_space<vmem>>[vector<16xi32>, vector<16xi32>], vector<16xf32>,
      %mul3A_855 = vector.broadcast %squeeze3A_833 : f32 to vector<16xf32>
      %mul3A_856 = arith.mulf %mul3A_855, %get3A_3 : vector<16xf32>
      %add3A_857 = arith.addf %mul3A_856, %add3A_14 : vector<16xf32>
      %mul3A_858 = arith.mulf %gather3A_854, %add3A_857 : vector<16xf32>
      %swap3A_859 = arith.index_cast %add3A_853 : i32 to index
      %swap3A_860 = arith.constant 0 : index
      %swap3A_861 = tpu.vector_load %arg10[%swap3A_859, %swap3A_860] {strides = array<i32>} : memref<256x64xf32, #tpu.memory_space<vmem>>, vector<16xf32>,
      tpu.vector_store %arg10[%swap3A_859, %swap3A_860], %mul3A_858 {strides = array<i32>} : memref<256x64xf32, #tpu.memory_space<vmem>>, vector<16xf32>,
      %gather3A_862 = tpu.vector_load_idx %arg15[%add3A_35, %broadcast_in_dim3A_831] : memref<64x128xf32, #tpu.memory_space<vmem>>[vector<16xi32>, vector<16xi32>], vector<16xf32>,
      %mul3A_863 = vector.broadcast %squeeze3A_833 : f32 to vector<16xf32>
      %mul3A_864 = arith.mulf %mul3A_863, %get3A_5 : vector<16xf32>
      %add3A_865 = arith.addf %mul3A_864, %add3A_19 : vector<16xf32>
      %mul3A_866 = arith.mulf %gather3A_862, %add3A_865 : vector<16xf32>
      %swap3A_867 = arith.index_cast %add3A_853 : i32 to index
      %swap3A_868 = arith.constant 16 : index
      %swap3A_869 = tpu.vector_load %arg10[%swap3A_867, %swap3A_868] {strides = array<i32>} : memref<256x64xf32, #tpu.memory_space<vmem>>, vector<16xf32>,
      tpu.vector_store %arg10[%swap3A_867, %swap3A_868], %mul3A_866 {strides = array<i32>} : memref<256x64xf32, #tpu.memory_space<vmem>>, vector<16xf32>,
      %gather3A_870 = tpu.vector_load_idx %arg15[%add3A_38, %broadcast_in_dim3A_831] : memref<64x128xf32, #tpu.memory_space<vmem>>[vector<16xi32>, vector<16xi32>], vector<16xf32>,
      %mul3A_871 = vector.broadcast %squeeze3A_833 : f32 to vector<16xf32>
      %mul3A_872 = arith.mulf %mul3A_871, %get3A_7 : vector<16xf32>
      %add3A_873 = arith.addf %mul3A_872, %add3A_24 : vector<16xf32>
      %mul3A_874 = arith.mulf %gather3A_870, %add3A_873 : vector<16xf32>
      %swap3A_875 = arith.index_cast %add3A_853 : i32 to index
      %swap3A_876 = arith.constant 32 : index
      %swap3A_877 = tpu.vector_load %arg10[%swap3A_875, %swap3A_876] {strides = array<i32>} : memref<256x64xf32, #tpu.memory_space<vmem>>, vector<16xf32>,
      tpu.vector_store %arg10[%swap3A_875, %swap3A_876], %mul3A_874 {strides = array<i32>} : memref<256x64xf32, #tpu.memory_space<vmem>>, vector<16xf32>,
      %gather3A_878 = tpu.vector_load_idx %arg15[%add3A_41, %broadcast_in_dim3A_831] : memref<64x128xf32, #tpu.memory_space<vmem>>[vector<16xi32>, vector<16xi32>], vector<16xf32>,
      %mul3A_879 = vector.broadcast %squeeze3A_833 : f32 to vector<16xf32>
      %mul3A_880 = arith.mulf %mul3A_879, %get3A_9 : vector<16xf32>
      %add3A_881 = arith.addf %mul3A_880, %add3A_29 : vector<16xf32>
      %mul3A_882 = arith.mulf %gather3A_878, %add3A_881 : vector<16xf32>
      %swap3A_883 = arith.index_cast %add3A_853 : i32 to index
      %swap3A_884 = arith.constant 48 : index
      %swap3A_885 = tpu.vector_load %arg10[%swap3A_883, %swap3A_884] {strides = array<i32>} : memref<256x64xf32, #tpu.memory_space<vmem>>, vector<16xf32>,
      tpu.vector_store %arg10[%swap3A_883, %swap3A_884], %mul3A_882 {strides = array<i32>} : memref<256x64xf32, #tpu.memory_space<vmem>>, vector<16xf32>,
      %add3A_886 = arith.constant 1 : i32
      %add3A_887 = arith.addi %scan3A_105, %add3A_886 : i32
      %lt3A_888 = arith.constant 32 : i32
      %lt3A_889 = arith.cmpi slt, %add3A_887, %lt3A_888 : i32
      %convert_element_type3A_890 = arith.extui %lt3A_889 : i1 to i32
      %cond3A_891 = arith.constant 0 : i32
      %cond3A_892 = arith.cmpi ne, %convert_element_type3A_890, %cond3A_891 : i32
      scf.if %cond3A_892 {
        %slice3A_1264 = vector.extract_strided_slice %shift_left3A_134 {offsets = [2], sizes = [1], strides = [1]} : vector<16xi32> to vector<1xi32>
        %squeeze3A_1265 = vector.extract %slice3A_1264[0] : i32 from vector<1xi32>
        %multiple_of3A_1266 = tpu.assume_multiple %squeeze3A_1265, 128 : i32
        %dma_start3A_1267 = arith.constant 0 : i32
        %dma_start3A_1268 = tpu.memref_slice %arg2[%dma_start3A_1267, %multiple_of3A_1266] : memref<64x1000000xf32, #tpu.memory_space<hbm>> -> memref<64x128xf32, #tpu.memory_space<hbm>>
        %dma_start3A_1269 = arith.constant 0 : i32
        %dma_start3A_1270 = tpu.memref_slice %arg2[%dma_start3A_1269, %multiple_of3A_1266] : memref<64x1000000xf32, #tpu.memory_space<hbm>> -> memref<64x128xf32, #tpu.memory_space<hbm>>
        tpu.enqueue_dma source(%dma_start3A_1270 : memref<64x128xf32, #tpu.memory_space<hbm>>) target(%arg15 : memref<64x128xf32, #tpu.memory_space<vmem>>) target_semaphore(%arg23 : memref<!tpu.dma_semaphore, #tpu.memory_space<semaphore_mem>>)
      } else {
      }
      %dma_wait3A_893 = arith.constant 0 : i32
      %dma_wait3A_894 = arith.constant 0 : i32
      %dma_wait3A_895 = tpu.memref_slice %arg2[%dma_wait3A_893, %dma_wait3A_894] : memref<64x1000000xf32, #tpu.memory_space<hbm>> -> memref<64x128xf32, #tpu.memory_space<hbm>>
      %dma_wait3A_896 = arith.constant 0 : i32
      %dma_wait3A_897 = arith.constant 0 : i32
      %dma_wait3A_898 = tpu.memref_slice %arg2[%dma_wait3A_896, %dma_wait3A_897] : memref<64x1000000xf32, #tpu.memory_space<hbm>> -> memref<64x128xf32, #tpu.memory_space<hbm>>
      tpu.wait_dma2 semaphore(%arg24 : memref<!tpu.dma_semaphore, #tpu.memory_space<semaphore_mem>>) src(%dma_wait3A_898 : memref<64x128xf32, #tpu.memory_space<hbm>>) dst(%arg16 : memref<64x128xf32, #tpu.memory_space<vmem>>)
      %slice3A_899 = vector.extract_strided_slice %and3A_115 {offsets = [11], sizes = [1], strides = [1]} : vector<16xi32> to vector<1xi32>
      %squeeze3A_900 = vector.extract %slice3A_899[0] : i32 from vector<1xi32>
      %broadcast_in_dim3A_901 = vector.broadcast %squeeze3A_900 : i32 to vector<16xi32>
      %slice3A_902 = vector.extract_strided_slice %get3A_113 {offsets = [11], sizes = [1], strides = [1]} : vector<16xf32> to vector<1xf32>
      %squeeze3A_903 = vector.extract %slice3A_902[0] : f32 from vector<1xf32>
      %jit3A_904 = arith.constant 16 : i32
      %eq3A_905 = arith.constant 0 : i32
      %eq3A_906 = arith.cmpi eq, %jit3A_904, %eq3A_905 : i32
      %jit3A_907 = arith.constant 1 : i32
      %select_n3A_908 = arith.select %eq3A_906, %jit3A_907, %jit3A_904 : i32
      %rem3A_909 = arith.remsi %scan3A_105, %select_n3A_908 : i32
      %ne3A_910 = arith.constant 0 : i32
      %ne3A_911 = arith.cmpi ne, %rem3A_909, %ne3A_910 : i32
      %lt3A_912 = arith.constant 0 : i32
      %lt3A_913 = arith.cmpi slt, %rem3A_909, %lt3A_912 : i32
      %lt3A_914 = arith.constant 0 : i32
      %lt3A_915 = arith.cmpi slt, %select_n3A_908, %lt3A_914 : i32
      %ne3A_916 = arith.xori %lt3A_913, %lt3A_915 : i1
      %and3A_917 = arith.andi %ne3A_916, %ne3A_911 : i1
      %add3A_918 = arith.addi %rem3A_909, %select_n3A_908 : i32
      %select_n3A_919 = arith.select %and3A_917, %add3A_918, %rem3A_909 : i32
      %mul3A_920 = arith.constant 16 : i32
      %mul3A_921 = arith.muli %select_n3A_919, %mul3A_920 : i32
      %add3A_922 = arith.constant 11 : i32
      %add3A_923 = arith.addi %mul3A_921, %add3A_922 : i32
      %gather3A_924 = tpu.vector_load_idx %arg16[%add3A_32, %broadcast_in_dim3A_901] : memref<64x128xf32, #tpu.memory_space<vmem>>[vector<16xi32>, vector<16xi32>], vector<16xf32>,
      %mul3A_925 = vector.broadcast %squeeze3A_903 : f32 to vector<16xf32>
      %mul3A_926 = arith.mulf %mul3A_925, %get3A_3 : vector<16xf32>
      %add3A_927 = arith.addf %mul3A_926, %add3A_14 : vector<16xf32>
      %mul3A_928 = arith.mulf %gather3A_924, %add3A_927 : vector<16xf32>
      %swap3A_929 = arith.index_cast %add3A_923 : i32 to index
      %swap3A_930 = arith.constant 0 : index
      %swap3A_931 = tpu.vector_load %arg10[%swap3A_929, %swap3A_930] {strides = array<i32>} : memref<256x64xf32, #tpu.memory_space<vmem>>, vector<16xf32>,
      tpu.vector_store %arg10[%swap3A_929, %swap3A_930], %mul3A_928 {strides = array<i32>} : memref<256x64xf32, #tpu.memory_space<vmem>>, vector<16xf32>,
      %gather3A_932 = tpu.vector_load_idx %arg16[%add3A_35, %broadcast_in_dim3A_901] : memref<64x128xf32, #tpu.memory_space<vmem>>[vector<16xi32>, vector<16xi32>], vector<16xf32>,
      %mul3A_933 = vector.broadcast %squeeze3A_903 : f32 to vector<16xf32>
      %mul3A_934 = arith.mulf %mul3A_933, %get3A_5 : vector<16xf32>
      %add3A_935 = arith.addf %mul3A_934, %add3A_19 : vector<16xf32>
      %mul3A_936 = arith.mulf %gather3A_932, %add3A_935 : vector<16xf32>
      %swap3A_937 = arith.index_cast %add3A_923 : i32 to index
      %swap3A_938 = arith.constant 16 : index
      %swap3A_939 = tpu.vector_load %arg10[%swap3A_937, %swap3A_938] {strides = array<i32>} : memref<256x64xf32, #tpu.memory_space<vmem>>, vector<16xf32>,
      tpu.vector_store %arg10[%swap3A_937, %swap3A_938], %mul3A_936 {strides = array<i32>} : memref<256x64xf32, #tpu.memory_space<vmem>>, vector<16xf32>,
      %gather3A_940 = tpu.vector_load_idx %arg16[%add3A_38, %broadcast_in_dim3A_901] : memref<64x128xf32, #tpu.memory_space<vmem>>[vector<16xi32>, vector<16xi32>], vector<16xf32>,
      %mul3A_941 = vector.broadcast %squeeze3A_903 : f32 to vector<16xf32>
      %mul3A_942 = arith.mulf %mul3A_941, %get3A_7 : vector<16xf32>
      %add3A_943 = arith.addf %mul3A_942, %add3A_24 : vector<16xf32>
      %mul3A_944 = arith.mulf %gather3A_940, %add3A_943 : vector<16xf32>
      %swap3A_945 = arith.index_cast %add3A_923 : i32 to index
      %swap3A_946 = arith.constant 32 : index
      %swap3A_947 = tpu.vector_load %arg10[%swap3A_945, %swap3A_946] {strides = array<i32>} : memref<256x64xf32, #tpu.memory_space<vmem>>, vector<16xf32>,
      tpu.vector_store %arg10[%swap3A_945, %swap3A_946], %mul3A_944 {strides = array<i32>} : memref<256x64xf32, #tpu.memory_space<vmem>>, vector<16xf32>,
      %gather3A_948 = tpu.vector_load_idx %arg16[%add3A_41, %broadcast_in_dim3A_901] : memref<64x128xf32, #tpu.memory_space<vmem>>[vector<16xi32>, vector<16xi32>], vector<16xf32>,
      %mul3A_949 = vector.broadcast %squeeze3A_903 : f32 to vector<16xf32>
      %mul3A_950 = arith.mulf %mul3A_949, %get3A_9 : vector<16xf32>
      %add3A_951 = arith.addf %mul3A_950, %add3A_29 : vector<16xf32>
      %mul3A_952 = arith.mulf %gather3A_948, %add3A_951 : vector<16xf32>
      %swap3A_953 = arith.index_cast %add3A_923 : i32 to index
      %swap3A_954 = arith.constant 48 : index
      %swap3A_955 = tpu.vector_load %arg10[%swap3A_953, %swap3A_954] {strides = array<i32>} : memref<256x64xf32, #tpu.memory_space<vmem>>, vector<16xf32>,
      tpu.vector_store %arg10[%swap3A_953, %swap3A_954], %mul3A_952 {strides = array<i32>} : memref<256x64xf32, #tpu.memory_space<vmem>>, vector<16xf32>,
      %add3A_956 = arith.constant 1 : i32
      %add3A_957 = arith.addi %scan3A_105, %add3A_956 : i32
      %lt3A_958 = arith.constant 32 : i32
      %lt3A_959 = arith.cmpi slt, %add3A_957, %lt3A_958 : i32
      %convert_element_type3A_960 = arith.extui %lt3A_959 : i1 to i32
      %cond3A_961 = arith.constant 0 : i32
      %cond3A_962 = arith.cmpi ne, %convert_element_type3A_960, %cond3A_961 : i32
      scf.if %cond3A_962 {
        %slice3A_1264 = vector.extract_strided_slice %shift_left3A_134 {offsets = [3], sizes = [1], strides = [1]} : vector<16xi32> to vector<1xi32>
        %squeeze3A_1265 = vector.extract %slice3A_1264[0] : i32 from vector<1xi32>
        %multiple_of3A_1266 = tpu.assume_multiple %squeeze3A_1265, 128 : i32
        %dma_start3A_1267 = arith.constant 0 : i32
        %dma_start3A_1268 = tpu.memref_slice %arg2[%dma_start3A_1267, %multiple_of3A_1266] : memref<64x1000000xf32, #tpu.memory_space<hbm>> -> memref<64x128xf32, #tpu.memory_space<hbm>>
        %dma_start3A_1269 = arith.constant 0 : i32
        %dma_start3A_1270 = tpu.memref_slice %arg2[%dma_start3A_1269, %multiple_of3A_1266] : memref<64x1000000xf32, #tpu.memory_space<hbm>> -> memref<64x128xf32, #tpu.memory_space<hbm>>
        tpu.enqueue_dma source(%dma_start3A_1270 : memref<64x128xf32, #tpu.memory_space<hbm>>) target(%arg16 : memref<64x128xf32, #tpu.memory_space<vmem>>) target_semaphore(%arg24 : memref<!tpu.dma_semaphore, #tpu.memory_space<semaphore_mem>>)
      } else {
      }
      %dma_wait3A_963 = arith.constant 0 : i32
      %dma_wait3A_964 = arith.constant 0 : i32
      %dma_wait3A_965 = tpu.memref_slice %arg2[%dma_wait3A_963, %dma_wait3A_964] : memref<64x1000000xf32, #tpu.memory_space<hbm>> -> memref<64x128xf32, #tpu.memory_space<hbm>>
      %dma_wait3A_966 = arith.constant 0 : i32
      %dma_wait3A_967 = arith.constant 0 : i32
      %dma_wait3A_968 = tpu.memref_slice %arg2[%dma_wait3A_966, %dma_wait3A_967] : memref<64x1000000xf32, #tpu.memory_space<hbm>> -> memref<64x128xf32, #tpu.memory_space<hbm>>
      tpu.wait_dma2 semaphore(%arg25 : memref<!tpu.dma_semaphore, #tpu.memory_space<semaphore_mem>>) src(%dma_wait3A_968 : memref<64x128xf32, #tpu.memory_space<hbm>>) dst(%arg17 : memref<64x128xf32, #tpu.memory_space<vmem>>)
      %slice3A_969 = vector.extract_strided_slice %and3A_115 {offsets = [12], sizes = [1], strides = [1]} : vector<16xi32> to vector<1xi32>
      %squeeze3A_970 = vector.extract %slice3A_969[0] : i32 from vector<1xi32>
      %broadcast_in_dim3A_971 = vector.broadcast %squeeze3A_970 : i32 to vector<16xi32>
      %slice3A_972 = vector.extract_strided_slice %get3A_113 {offsets = [12], sizes = [1], strides = [1]} : vector<16xf32> to vector<1xf32>
      %squeeze3A_973 = vector.extract %slice3A_972[0] : f32 from vector<1xf32>
      %jit3A_974 = arith.constant 16 : i32
      %eq3A_975 = arith.constant 0 : i32
      %eq3A_976 = arith.cmpi eq, %jit3A_974, %eq3A_975 : i32
      %jit3A_977 = arith.constant 1 : i32
      %select_n3A_978 = arith.select %eq3A_976, %jit3A_977, %jit3A_974 : i32
      %rem3A_979 = arith.remsi %scan3A_105, %select_n3A_978 : i32
      %ne3A_980 = arith.constant 0 : i32
      %ne3A_981 = arith.cmpi ne, %rem3A_979, %ne3A_980 : i32
      %lt3A_982 = arith.constant 0 : i32
      %lt3A_983 = arith.cmpi slt, %rem3A_979, %lt3A_982 : i32
      %lt3A_984 = arith.constant 0 : i32
      %lt3A_985 = arith.cmpi slt, %select_n3A_978, %lt3A_984 : i32
      %ne3A_986 = arith.xori %lt3A_983, %lt3A_985 : i1
      %and3A_987 = arith.andi %ne3A_986, %ne3A_981 : i1
      %add3A_988 = arith.addi %rem3A_979, %select_n3A_978 : i32
      %select_n3A_989 = arith.select %and3A_987, %add3A_988, %rem3A_979 : i32
      %mul3A_990 = arith.constant 16 : i32
      %mul3A_991 = arith.muli %select_n3A_989, %mul3A_990 : i32
      %add3A_992 = arith.constant 12 : i32
      %add3A_993 = arith.addi %mul3A_991, %add3A_992 : i32
      %gather3A_994 = tpu.vector_load_idx %arg17[%add3A_32, %broadcast_in_dim3A_971] : memref<64x128xf32, #tpu.memory_space<vmem>>[vector<16xi32>, vector<16xi32>], vector<16xf32>,
      %mul3A_995 = vector.broadcast %squeeze3A_973 : f32 to vector<16xf32>
      %mul3A_996 = arith.mulf %mul3A_995, %get3A_3 : vector<16xf32>
      %add3A_997 = arith.addf %mul3A_996, %add3A_14 : vector<16xf32>
      %mul3A_998 = arith.mulf %gather3A_994, %add3A_997 : vector<16xf32>
      %swap3A_999 = arith.index_cast %add3A_993 : i32 to index
      %swap3A_1000 = arith.constant 0 : index
      %swap3A_1001 = tpu.vector_load %arg10[%swap3A_999, %swap3A_1000] {strides = array<i32>} : memref<256x64xf32, #tpu.memory_space<vmem>>, vector<16xf32>,
      tpu.vector_store %arg10[%swap3A_999, %swap3A_1000], %mul3A_998 {strides = array<i32>} : memref<256x64xf32, #tpu.memory_space<vmem>>, vector<16xf32>,
      %gather3A_1002 = tpu.vector_load_idx %arg17[%add3A_35, %broadcast_in_dim3A_971] : memref<64x128xf32, #tpu.memory_space<vmem>>[vector<16xi32>, vector<16xi32>], vector<16xf32>,
      %mul3A_1003 = vector.broadcast %squeeze3A_973 : f32 to vector<16xf32>
      %mul3A_1004 = arith.mulf %mul3A_1003, %get3A_5 : vector<16xf32>
      %add3A_1005 = arith.addf %mul3A_1004, %add3A_19 : vector<16xf32>
      %mul3A_1006 = arith.mulf %gather3A_1002, %add3A_1005 : vector<16xf32>
      %swap3A_1007 = arith.index_cast %add3A_993 : i32 to index
      %swap3A_1008 = arith.constant 16 : index
      %swap3A_1009 = tpu.vector_load %arg10[%swap3A_1007, %swap3A_1008] {strides = array<i32>} : memref<256x64xf32, #tpu.memory_space<vmem>>, vector<16xf32>,
      tpu.vector_store %arg10[%swap3A_1007, %swap3A_1008], %mul3A_1006 {strides = array<i32>} : memref<256x64xf32, #tpu.memory_space<vmem>>, vector<16xf32>,
      %gather3A_1010 = tpu.vector_load_idx %arg17[%add3A_38, %broadcast_in_dim3A_971] : memref<64x128xf32, #tpu.memory_space<vmem>>[vector<16xi32>, vector<16xi32>], vector<16xf32>,
      %mul3A_1011 = vector.broadcast %squeeze3A_973 : f32 to vector<16xf32>
      %mul3A_1012 = arith.mulf %mul3A_1011, %get3A_7 : vector<16xf32>
      %add3A_1013 = arith.addf %mul3A_1012, %add3A_24 : vector<16xf32>
      %mul3A_1014 = arith.mulf %gather3A_1010, %add3A_1013 : vector<16xf32>
      %swap3A_1015 = arith.index_cast %add3A_993 : i32 to index
      %swap3A_1016 = arith.constant 32 : index
      %swap3A_1017 = tpu.vector_load %arg10[%swap3A_1015, %swap3A_1016] {strides = array<i32>} : memref<256x64xf32, #tpu.memory_space<vmem>>, vector<16xf32>,
      tpu.vector_store %arg10[%swap3A_1015, %swap3A_1016], %mul3A_1014 {strides = array<i32>} : memref<256x64xf32, #tpu.memory_space<vmem>>, vector<16xf32>,
      %gather3A_1018 = tpu.vector_load_idx %arg17[%add3A_41, %broadcast_in_dim3A_971] : memref<64x128xf32, #tpu.memory_space<vmem>>[vector<16xi32>, vector<16xi32>], vector<16xf32>,
      %mul3A_1019 = vector.broadcast %squeeze3A_973 : f32 to vector<16xf32>
      %mul3A_1020 = arith.mulf %mul3A_1019, %get3A_9 : vector<16xf32>
      %add3A_1021 = arith.addf %mul3A_1020, %add3A_29 : vector<16xf32>
      %mul3A_1022 = arith.mulf %gather3A_1018, %add3A_1021 : vector<16xf32>
      %swap3A_1023 = arith.index_cast %add3A_993 : i32 to index
      %swap3A_1024 = arith.constant 48 : index
      %swap3A_1025 = tpu.vector_load %arg10[%swap3A_1023, %swap3A_1024] {strides = array<i32>} : memref<256x64xf32, #tpu.memory_space<vmem>>, vector<16xf32>,
      tpu.vector_store %arg10[%swap3A_1023, %swap3A_1024], %mul3A_1022 {strides = array<i32>} : memref<256x64xf32, #tpu.memory_space<vmem>>, vector<16xf32>,
      %add3A_1026 = arith.constant 1 : i32
      %add3A_1027 = arith.addi %scan3A_105, %add3A_1026 : i32
      %lt3A_1028 = arith.constant 32 : i32
      %lt3A_1029 = arith.cmpi slt, %add3A_1027, %lt3A_1028 : i32
      %convert_element_type3A_1030 = arith.extui %lt3A_1029 : i1 to i32
      %cond3A_1031 = arith.constant 0 : i32
      %cond3A_1032 = arith.cmpi ne, %convert_element_type3A_1030, %cond3A_1031 : i32
      scf.if %cond3A_1032 {
        %slice3A_1264 = vector.extract_strided_slice %shift_left3A_134 {offsets = [4], sizes = [1], strides = [1]} : vector<16xi32> to vector<1xi32>
        %squeeze3A_1265 = vector.extract %slice3A_1264[0] : i32 from vector<1xi32>
        %multiple_of3A_1266 = tpu.assume_multiple %squeeze3A_1265, 128 : i32
        %dma_start3A_1267 = arith.constant 0 : i32
        %dma_start3A_1268 = tpu.memref_slice %arg2[%dma_start3A_1267, %multiple_of3A_1266] : memref<64x1000000xf32, #tpu.memory_space<hbm>> -> memref<64x128xf32, #tpu.memory_space<hbm>>
        %dma_start3A_1269 = arith.constant 0 : i32
        %dma_start3A_1270 = tpu.memref_slice %arg2[%dma_start3A_1269, %multiple_of3A_1266] : memref<64x1000000xf32, #tpu.memory_space<hbm>> -> memref<64x128xf32, #tpu.memory_space<hbm>>
        tpu.enqueue_dma source(%dma_start3A_1270 : memref<64x128xf32, #tpu.memory_space<hbm>>) target(%arg17 : memref<64x128xf32, #tpu.memory_space<vmem>>) target_semaphore(%arg25 : memref<!tpu.dma_semaphore, #tpu.memory_space<semaphore_mem>>)
      } else {
      }
      %dma_wait3A_1033 = arith.constant 0 : i32
      %dma_wait3A_1034 = arith.constant 0 : i32
      %dma_wait3A_1035 = tpu.memref_slice %arg2[%dma_wait3A_1033, %dma_wait3A_1034] : memref<64x1000000xf32, #tpu.memory_space<hbm>> -> memref<64x128xf32, #tpu.memory_space<hbm>>
      %dma_wait3A_1036 = arith.constant 0 : i32
      %dma_wait3A_1037 = arith.constant 0 : i32
      %dma_wait3A_1038 = tpu.memref_slice %arg2[%dma_wait3A_1036, %dma_wait3A_1037] : memref<64x1000000xf32, #tpu.memory_space<hbm>> -> memref<64x128xf32, #tpu.memory_space<hbm>>
      tpu.wait_dma2 semaphore(%arg26 : memref<!tpu.dma_semaphore, #tpu.memory_space<semaphore_mem>>) src(%dma_wait3A_1038 : memref<64x128xf32, #tpu.memory_space<hbm>>) dst(%arg18 : memref<64x128xf32, #tpu.memory_space<vmem>>)
      %slice3A_1039 = vector.extract_strided_slice %and3A_115 {offsets = [13], sizes = [1], strides = [1]} : vector<16xi32> to vector<1xi32>
      %squeeze3A_1040 = vector.extract %slice3A_1039[0] : i32 from vector<1xi32>
      %broadcast_in_dim3A_1041 = vector.broadcast %squeeze3A_1040 : i32 to vector<16xi32>
      %slice3A_1042 = vector.extract_strided_slice %get3A_113 {offsets = [13], sizes = [1], strides = [1]} : vector<16xf32> to vector<1xf32>
      %squeeze3A_1043 = vector.extract %slice3A_1042[0] : f32 from vector<1xf32>
      %jit3A_1044 = arith.constant 16 : i32
      %eq3A_1045 = arith.constant 0 : i32
      %eq3A_1046 = arith.cmpi eq, %jit3A_1044, %eq3A_1045 : i32
      %jit3A_1047 = arith.constant 1 : i32
      %select_n3A_1048 = arith.select %eq3A_1046, %jit3A_1047, %jit3A_1044 : i32
      %rem3A_1049 = arith.remsi %scan3A_105, %select_n3A_1048 : i32
      %ne3A_1050 = arith.constant 0 : i32
      %ne3A_1051 = arith.cmpi ne, %rem3A_1049, %ne3A_1050 : i32
      %lt3A_1052 = arith.constant 0 : i32
      %lt3A_1053 = arith.cmpi slt, %rem3A_1049, %lt3A_1052 : i32
      %lt3A_1054 = arith.constant 0 : i32
      %lt3A_1055 = arith.cmpi slt, %select_n3A_1048, %lt3A_1054 : i32
      %ne3A_1056 = arith.xori %lt3A_1053, %lt3A_1055 : i1
      %and3A_1057 = arith.andi %ne3A_1056, %ne3A_1051 : i1
      %add3A_1058 = arith.addi %rem3A_1049, %select_n3A_1048 : i32
      %select_n3A_1059 = arith.select %and3A_1057, %add3A_1058, %rem3A_1049 : i32
      %mul3A_1060 = arith.constant 16 : i32
      %mul3A_1061 = arith.muli %select_n3A_1059, %mul3A_1060 : i32
      %add3A_1062 = arith.constant 13 : i32
      %add3A_1063 = arith.addi %mul3A_1061, %add3A_1062 : i32
      %gather3A_1064 = tpu.vector_load_idx %arg18[%add3A_32, %broadcast_in_dim3A_1041] : memref<64x128xf32, #tpu.memory_space<vmem>>[vector<16xi32>, vector<16xi32>], vector<16xf32>,
      %mul3A_1065 = vector.broadcast %squeeze3A_1043 : f32 to vector<16xf32>
      %mul3A_1066 = arith.mulf %mul3A_1065, %get3A_3 : vector<16xf32>
      %add3A_1067 = arith.addf %mul3A_1066, %add3A_14 : vector<16xf32>
      %mul3A_1068 = arith.mulf %gather3A_1064, %add3A_1067 : vector<16xf32>
      %swap3A_1069 = arith.index_cast %add3A_1063 : i32 to index
      %swap3A_1070 = arith.constant 0 : index
      %swap3A_1071 = tpu.vector_load %arg10[%swap3A_1069, %swap3A_1070] {strides = array<i32>} : memref<256x64xf32, #tpu.memory_space<vmem>>, vector<16xf32>,
      tpu.vector_store %arg10[%swap3A_1069, %swap3A_1070], %mul3A_1068 {strides = array<i32>} : memref<256x64xf32, #tpu.memory_space<vmem>>, vector<16xf32>,
      %gather3A_1072 = tpu.vector_load_idx %arg18[%add3A_35, %broadcast_in_dim3A_1041] : memref<64x128xf32, #tpu.memory_space<vmem>>[vector<16xi32>, vector<16xi32>], vector<16xf32>,
      %mul3A_1073 = vector.broadcast %squeeze3A_1043 : f32 to vector<16xf32>
      %mul3A_1074 = arith.mulf %mul3A_1073, %get3A_5 : vector<16xf32>
      %add3A_1075 = arith.addf %mul3A_1074, %add3A_19 : vector<16xf32>
      %mul3A_1076 = arith.mulf %gather3A_1072, %add3A_1075 : vector<16xf32>
      %swap3A_1077 = arith.index_cast %add3A_1063 : i32 to index
      %swap3A_1078 = arith.constant 16 : index
      %swap3A_1079 = tpu.vector_load %arg10[%swap3A_1077, %swap3A_1078] {strides = array<i32>} : memref<256x64xf32, #tpu.memory_space<vmem>>, vector<16xf32>,
      tpu.vector_store %arg10[%swap3A_1077, %swap3A_1078], %mul3A_1076 {strides = array<i32>} : memref<256x64xf32, #tpu.memory_space<vmem>>, vector<16xf32>,
      %gather3A_1080 = tpu.vector_load_idx %arg18[%add3A_38, %broadcast_in_dim3A_1041] : memref<64x128xf32, #tpu.memory_space<vmem>>[vector<16xi32>, vector<16xi32>], vector<16xf32>,
      %mul3A_1081 = vector.broadcast %squeeze3A_1043 : f32 to vector<16xf32>
      %mul3A_1082 = arith.mulf %mul3A_1081, %get3A_7 : vector<16xf32>
      %add3A_1083 = arith.addf %mul3A_1082, %add3A_24 : vector<16xf32>
      %mul3A_1084 = arith.mulf %gather3A_1080, %add3A_1083 : vector<16xf32>
      %swap3A_1085 = arith.index_cast %add3A_1063 : i32 to index
      %swap3A_1086 = arith.constant 32 : index
      %swap3A_1087 = tpu.vector_load %arg10[%swap3A_1085, %swap3A_1086] {strides = array<i32>} : memref<256x64xf32, #tpu.memory_space<vmem>>, vector<16xf32>,
      tpu.vector_store %arg10[%swap3A_1085, %swap3A_1086], %mul3A_1084 {strides = array<i32>} : memref<256x64xf32, #tpu.memory_space<vmem>>, vector<16xf32>,
      %gather3A_1088 = tpu.vector_load_idx %arg18[%add3A_41, %broadcast_in_dim3A_1041] : memref<64x128xf32, #tpu.memory_space<vmem>>[vector<16xi32>, vector<16xi32>], vector<16xf32>,
      %mul3A_1089 = vector.broadcast %squeeze3A_1043 : f32 to vector<16xf32>
      %mul3A_1090 = arith.mulf %mul3A_1089, %get3A_9 : vector<16xf32>
      %add3A_1091 = arith.addf %mul3A_1090, %add3A_29 : vector<16xf32>
      %mul3A_1092 = arith.mulf %gather3A_1088, %add3A_1091 : vector<16xf32>
      %swap3A_1093 = arith.index_cast %add3A_1063 : i32 to index
      %swap3A_1094 = arith.constant 48 : index
      %swap3A_1095 = tpu.vector_load %arg10[%swap3A_1093, %swap3A_1094] {strides = array<i32>} : memref<256x64xf32, #tpu.memory_space<vmem>>, vector<16xf32>,
      tpu.vector_store %arg10[%swap3A_1093, %swap3A_1094], %mul3A_1092 {strides = array<i32>} : memref<256x64xf32, #tpu.memory_space<vmem>>, vector<16xf32>,
      %add3A_1096 = arith.constant 1 : i32
      %add3A_1097 = arith.addi %scan3A_105, %add3A_1096 : i32
      %lt3A_1098 = arith.constant 32 : i32
      %lt3A_1099 = arith.cmpi slt, %add3A_1097, %lt3A_1098 : i32
      %convert_element_type3A_1100 = arith.extui %lt3A_1099 : i1 to i32
      %cond3A_1101 = arith.constant 0 : i32
      %cond3A_1102 = arith.cmpi ne, %convert_element_type3A_1100, %cond3A_1101 : i32
      scf.if %cond3A_1102 {
        %slice3A_1264 = vector.extract_strided_slice %shift_left3A_134 {offsets = [5], sizes = [1], strides = [1]} : vector<16xi32> to vector<1xi32>
        %squeeze3A_1265 = vector.extract %slice3A_1264[0] : i32 from vector<1xi32>
        %multiple_of3A_1266 = tpu.assume_multiple %squeeze3A_1265, 128 : i32
        %dma_start3A_1267 = arith.constant 0 : i32
        %dma_start3A_1268 = tpu.memref_slice %arg2[%dma_start3A_1267, %multiple_of3A_1266] : memref<64x1000000xf32, #tpu.memory_space<hbm>> -> memref<64x128xf32, #tpu.memory_space<hbm>>
        %dma_start3A_1269 = arith.constant 0 : i32
        %dma_start3A_1270 = tpu.memref_slice %arg2[%dma_start3A_1269, %multiple_of3A_1266] : memref<64x1000000xf32, #tpu.memory_space<hbm>> -> memref<64x128xf32, #tpu.memory_space<hbm>>
        tpu.enqueue_dma source(%dma_start3A_1270 : memref<64x128xf32, #tpu.memory_space<hbm>>) target(%arg18 : memref<64x128xf32, #tpu.memory_space<vmem>>) target_semaphore(%arg26 : memref<!tpu.dma_semaphore, #tpu.memory_space<semaphore_mem>>)
      } else {
      }
      %dma_wait3A_1103 = arith.constant 0 : i32
      %dma_wait3A_1104 = arith.constant 0 : i32
      %dma_wait3A_1105 = tpu.memref_slice %arg2[%dma_wait3A_1103, %dma_wait3A_1104] : memref<64x1000000xf32, #tpu.memory_space<hbm>> -> memref<64x128xf32, #tpu.memory_space<hbm>>
      %dma_wait3A_1106 = arith.constant 0 : i32
      %dma_wait3A_1107 = arith.constant 0 : i32
      %dma_wait3A_1108 = tpu.memref_slice %arg2[%dma_wait3A_1106, %dma_wait3A_1107] : memref<64x1000000xf32, #tpu.memory_space<hbm>> -> memref<64x128xf32, #tpu.memory_space<hbm>>
      tpu.wait_dma2 semaphore(%arg27 : memref<!tpu.dma_semaphore, #tpu.memory_space<semaphore_mem>>) src(%dma_wait3A_1108 : memref<64x128xf32, #tpu.memory_space<hbm>>) dst(%arg19 : memref<64x128xf32, #tpu.memory_space<vmem>>)
      %slice3A_1109 = vector.extract_strided_slice %and3A_115 {offsets = [14], sizes = [1], strides = [1]} : vector<16xi32> to vector<1xi32>
      %squeeze3A_1110 = vector.extract %slice3A_1109[0] : i32 from vector<1xi32>
      %broadcast_in_dim3A_1111 = vector.broadcast %squeeze3A_1110 : i32 to vector<16xi32>
      %slice3A_1112 = vector.extract_strided_slice %get3A_113 {offsets = [14], sizes = [1], strides = [1]} : vector<16xf32> to vector<1xf32>
      %squeeze3A_1113 = vector.extract %slice3A_1112[0] : f32 from vector<1xf32>
      %jit3A_1114 = arith.constant 16 : i32
      %eq3A_1115 = arith.constant 0 : i32
      %eq3A_1116 = arith.cmpi eq, %jit3A_1114, %eq3A_1115 : i32
      %jit3A_1117 = arith.constant 1 : i32
      %select_n3A_1118 = arith.select %eq3A_1116, %jit3A_1117, %jit3A_1114 : i32
      %rem3A_1119 = arith.remsi %scan3A_105, %select_n3A_1118 : i32
      %ne3A_1120 = arith.constant 0 : i32
      %ne3A_1121 = arith.cmpi ne, %rem3A_1119, %ne3A_1120 : i32
      %lt3A_1122 = arith.constant 0 : i32
      %lt3A_1123 = arith.cmpi slt, %rem3A_1119, %lt3A_1122 : i32
      %lt3A_1124 = arith.constant 0 : i32
      %lt3A_1125 = arith.cmpi slt, %select_n3A_1118, %lt3A_1124 : i32
      %ne3A_1126 = arith.xori %lt3A_1123, %lt3A_1125 : i1
      %and3A_1127 = arith.andi %ne3A_1126, %ne3A_1121 : i1
      %add3A_1128 = arith.addi %rem3A_1119, %select_n3A_1118 : i32
      %select_n3A_1129 = arith.select %and3A_1127, %add3A_1128, %rem3A_1119 : i32
      %mul3A_1130 = arith.constant 16 : i32
      %mul3A_1131 = arith.muli %select_n3A_1129, %mul3A_1130 : i32
      %add3A_1132 = arith.constant 14 : i32
      %add3A_1133 = arith.addi %mul3A_1131, %add3A_1132 : i32
      %gather3A_1134 = tpu.vector_load_idx %arg19[%add3A_32, %broadcast_in_dim3A_1111] : memref<64x128xf32, #tpu.memory_space<vmem>>[vector<16xi32>, vector<16xi32>], vector<16xf32>,
      %mul3A_1135 = vector.broadcast %squeeze3A_1113 : f32 to vector<16xf32>
      %mul3A_1136 = arith.mulf %mul3A_1135, %get3A_3 : vector<16xf32>
      %add3A_1137 = arith.addf %mul3A_1136, %add3A_14 : vector<16xf32>
      %mul3A_1138 = arith.mulf %gather3A_1134, %add3A_1137 : vector<16xf32>
      %swap3A_1139 = arith.index_cast %add3A_1133 : i32 to index
      %swap3A_1140 = arith.constant 0 : index
      %swap3A_1141 = tpu.vector_load %arg10[%swap3A_1139, %swap3A_1140] {strides = array<i32>} : memref<256x64xf32, #tpu.memory_space<vmem>>, vector<16xf32>,
      tpu.vector_store %arg10[%swap3A_1139, %swap3A_1140], %mul3A_1138 {strides = array<i32>} : memref<256x64xf32, #tpu.memory_space<vmem>>, vector<16xf32>,
      %gather3A_1142 = tpu.vector_load_idx %arg19[%add3A_35, %broadcast_in_dim3A_1111] : memref<64x128xf32, #tpu.memory_space<vmem>>[vector<16xi32>, vector<16xi32>], vector<16xf32>,
      %mul3A_1143 = vector.broadcast %squeeze3A_1113 : f32 to vector<16xf32>
      %mul3A_1144 = arith.mulf %mul3A_1143, %get3A_5 : vector<16xf32>
      %add3A_1145 = arith.addf %mul3A_1144, %add3A_19 : vector<16xf32>
      %mul3A_1146 = arith.mulf %gather3A_1142, %add3A_1145 : vector<16xf32>
      %swap3A_1147 = arith.index_cast %add3A_1133 : i32 to index
      %swap3A_1148 = arith.constant 16 : index
      %swap3A_1149 = tpu.vector_load %arg10[%swap3A_1147, %swap3A_1148] {strides = array<i32>} : memref<256x64xf32, #tpu.memory_space<vmem>>, vector<16xf32>,
      tpu.vector_store %arg10[%swap3A_1147, %swap3A_1148], %mul3A_1146 {strides = array<i32>} : memref<256x64xf32, #tpu.memory_space<vmem>>, vector<16xf32>,
      %gather3A_1150 = tpu.vector_load_idx %arg19[%add3A_38, %broadcast_in_dim3A_1111] : memref<64x128xf32, #tpu.memory_space<vmem>>[vector<16xi32>, vector<16xi32>], vector<16xf32>,
      %mul3A_1151 = vector.broadcast %squeeze3A_1113 : f32 to vector<16xf32>
      %mul3A_1152 = arith.mulf %mul3A_1151, %get3A_7 : vector<16xf32>
      %add3A_1153 = arith.addf %mul3A_1152, %add3A_24 : vector<16xf32>
      %mul3A_1154 = arith.mulf %gather3A_1150, %add3A_1153 : vector<16xf32>
      %swap3A_1155 = arith.index_cast %add3A_1133 : i32 to index
      %swap3A_1156 = arith.constant 32 : index
      %swap3A_1157 = tpu.vector_load %arg10[%swap3A_1155, %swap3A_1156] {strides = array<i32>} : memref<256x64xf32, #tpu.memory_space<vmem>>, vector<16xf32>,
      tpu.vector_store %arg10[%swap3A_1155, %swap3A_1156], %mul3A_1154 {strides = array<i32>} : memref<256x64xf32, #tpu.memory_space<vmem>>, vector<16xf32>,
      %gather3A_1158 = tpu.vector_load_idx %arg19[%add3A_41, %broadcast_in_dim3A_1111] : memref<64x128xf32, #tpu.memory_space<vmem>>[vector<16xi32>, vector<16xi32>], vector<16xf32>,
      %mul3A_1159 = vector.broadcast %squeeze3A_1113 : f32 to vector<16xf32>
      %mul3A_1160 = arith.mulf %mul3A_1159, %get3A_9 : vector<16xf32>
      %add3A_1161 = arith.addf %mul3A_1160, %add3A_29 : vector<16xf32>
      %mul3A_1162 = arith.mulf %gather3A_1158, %add3A_1161 : vector<16xf32>
      %swap3A_1163 = arith.index_cast %add3A_1133 : i32 to index
      %swap3A_1164 = arith.constant 48 : index
      %swap3A_1165 = tpu.vector_load %arg10[%swap3A_1163, %swap3A_1164] {strides = array<i32>} : memref<256x64xf32, #tpu.memory_space<vmem>>, vector<16xf32>,
      tpu.vector_store %arg10[%swap3A_1163, %swap3A_1164], %mul3A_1162 {strides = array<i32>} : memref<256x64xf32, #tpu.memory_space<vmem>>, vector<16xf32>,
      %add3A_1166 = arith.constant 1 : i32
      %add3A_1167 = arith.addi %scan3A_105, %add3A_1166 : i32
      %lt3A_1168 = arith.constant 32 : i32
      %lt3A_1169 = arith.cmpi slt, %add3A_1167, %lt3A_1168 : i32
      %convert_element_type3A_1170 = arith.extui %lt3A_1169 : i1 to i32
      %cond3A_1171 = arith.constant 0 : i32
      %cond3A_1172 = arith.cmpi ne, %convert_element_type3A_1170, %cond3A_1171 : i32
      scf.if %cond3A_1172 {
        %slice3A_1264 = vector.extract_strided_slice %shift_left3A_134 {offsets = [6], sizes = [1], strides = [1]} : vector<16xi32> to vector<1xi32>
        %squeeze3A_1265 = vector.extract %slice3A_1264[0] : i32 from vector<1xi32>
        %multiple_of3A_1266 = tpu.assume_multiple %squeeze3A_1265, 128 : i32
        %dma_start3A_1267 = arith.constant 0 : i32
        %dma_start3A_1268 = tpu.memref_slice %arg2[%dma_start3A_1267, %multiple_of3A_1266] : memref<64x1000000xf32, #tpu.memory_space<hbm>> -> memref<64x128xf32, #tpu.memory_space<hbm>>
        %dma_start3A_1269 = arith.constant 0 : i32
        %dma_start3A_1270 = tpu.memref_slice %arg2[%dma_start3A_1269, %multiple_of3A_1266] : memref<64x1000000xf32, #tpu.memory_space<hbm>> -> memref<64x128xf32, #tpu.memory_space<hbm>>
        tpu.enqueue_dma source(%dma_start3A_1270 : memref<64x128xf32, #tpu.memory_space<hbm>>) target(%arg19 : memref<64x128xf32, #tpu.memory_space<vmem>>) target_semaphore(%arg27 : memref<!tpu.dma_semaphore, #tpu.memory_space<semaphore_mem>>)
      } else {
      }
      %dma_wait3A_1173 = arith.constant 0 : i32
      %dma_wait3A_1174 = arith.constant 0 : i32
      %dma_wait3A_1175 = tpu.memref_slice %arg2[%dma_wait3A_1173, %dma_wait3A_1174] : memref<64x1000000xf32, #tpu.memory_space<hbm>> -> memref<64x128xf32, #tpu.memory_space<hbm>>
      %dma_wait3A_1176 = arith.constant 0 : i32
      %dma_wait3A_1177 = arith.constant 0 : i32
      %dma_wait3A_1178 = tpu.memref_slice %arg2[%dma_wait3A_1176, %dma_wait3A_1177] : memref<64x1000000xf32, #tpu.memory_space<hbm>> -> memref<64x128xf32, #tpu.memory_space<hbm>>
      tpu.wait_dma2 semaphore(%arg28 : memref<!tpu.dma_semaphore, #tpu.memory_space<semaphore_mem>>) src(%dma_wait3A_1178 : memref<64x128xf32, #tpu.memory_space<hbm>>) dst(%arg20 : memref<64x128xf32, #tpu.memory_space<vmem>>)
      %slice3A_1179 = vector.extract_strided_slice %and3A_115 {offsets = [15], sizes = [1], strides = [1]} : vector<16xi32> to vector<1xi32>
      %squeeze3A_1180 = vector.extract %slice3A_1179[0] : i32 from vector<1xi32>
      %broadcast_in_dim3A_1181 = vector.broadcast %squeeze3A_1180 : i32 to vector<16xi32>
      %slice3A_1182 = vector.extract_strided_slice %get3A_113 {offsets = [15], sizes = [1], strides = [1]} : vector<16xf32> to vector<1xf32>
      %squeeze3A_1183 = vector.extract %slice3A_1182[0] : f32 from vector<1xf32>
      %jit3A_1184 = arith.constant 16 : i32
      %eq3A_1185 = arith.constant 0 : i32
      %eq3A_1186 = arith.cmpi eq, %jit3A_1184, %eq3A_1185 : i32
      %jit3A_1187 = arith.constant 1 : i32
      %select_n3A_1188 = arith.select %eq3A_1186, %jit3A_1187, %jit3A_1184 : i32
      %rem3A_1189 = arith.remsi %scan3A_105, %select_n3A_1188 : i32
      %ne3A_1190 = arith.constant 0 : i32
      %ne3A_1191 = arith.cmpi ne, %rem3A_1189, %ne3A_1190 : i32
      %lt3A_1192 = arith.constant 0 : i32
      %lt3A_1193 = arith.cmpi slt, %rem3A_1189, %lt3A_1192 : i32
      %lt3A_1194 = arith.constant 0 : i32
      %lt3A_1195 = arith.cmpi slt, %select_n3A_1188, %lt3A_1194 : i32
      %ne3A_1196 = arith.xori %lt3A_1193, %lt3A_1195 : i1
      %and3A_1197 = arith.andi %ne3A_1196, %ne3A_1191 : i1
      %add3A_1198 = arith.addi %rem3A_1189, %select_n3A_1188 : i32
      %select_n3A_1199 = arith.select %and3A_1197, %add3A_1198, %rem3A_1189 : i32
      %mul3A_1200 = arith.constant 16 : i32
      %mul3A_1201 = arith.muli %select_n3A_1199, %mul3A_1200 : i32
      %add3A_1202 = arith.constant 15 : i32
      %add3A_1203 = arith.addi %mul3A_1201, %add3A_1202 : i32
      %gather3A_1204 = tpu.vector_load_idx %arg20[%add3A_32, %broadcast_in_dim3A_1181] : memref<64x128xf32, #tpu.memory_space<vmem>>[vector<16xi32>, vector<16xi32>], vector<16xf32>,
      %mul3A_1205 = vector.broadcast %squeeze3A_1183 : f32 to vector<16xf32>
      %mul3A_1206 = arith.mulf %mul3A_1205, %get3A_3 : vector<16xf32>
      %add3A_1207 = arith.addf %mul3A_1206, %add3A_14 : vector<16xf32>
      %mul3A_1208 = arith.mulf %gather3A_1204, %add3A_1207 : vector<16xf32>
      %swap3A_1209 = arith.index_cast %add3A_1203 : i32 to index
      %swap3A_1210 = arith.constant 0 : index
      %swap3A_1211 = tpu.vector_load %arg10[%swap3A_1209, %swap3A_1210] {strides = array<i32>} : memref<256x64xf32, #tpu.memory_space<vmem>>, vector<16xf32>,
      tpu.vector_store %arg10[%swap3A_1209, %swap3A_1210], %mul3A_1208 {strides = array<i32>} : memref<256x64xf32, #tpu.memory_space<vmem>>, vector<16xf32>,
      %gather3A_1212 = tpu.vector_load_idx %arg20[%add3A_35, %broadcast_in_dim3A_1181] : memref<64x128xf32, #tpu.memory_space<vmem>>[vector<16xi32>, vector<16xi32>], vector<16xf32>,
      %mul3A_1213 = vector.broadcast %squeeze3A_1183 : f32 to vector<16xf32>
      %mul3A_1214 = arith.mulf %mul3A_1213, %get3A_5 : vector<16xf32>
      %add3A_1215 = arith.addf %mul3A_1214, %add3A_19 : vector<16xf32>
      %mul3A_1216 = arith.mulf %gather3A_1212, %add3A_1215 : vector<16xf32>
      %swap3A_1217 = arith.index_cast %add3A_1203 : i32 to index
      %swap3A_1218 = arith.constant 16 : index
      %swap3A_1219 = tpu.vector_load %arg10[%swap3A_1217, %swap3A_1218] {strides = array<i32>} : memref<256x64xf32, #tpu.memory_space<vmem>>, vector<16xf32>,
      tpu.vector_store %arg10[%swap3A_1217, %swap3A_1218], %mul3A_1216 {strides = array<i32>} : memref<256x64xf32, #tpu.memory_space<vmem>>, vector<16xf32>,
      %gather3A_1220 = tpu.vector_load_idx %arg20[%add3A_38, %broadcast_in_dim3A_1181] : memref<64x128xf32, #tpu.memory_space<vmem>>[vector<16xi32>, vector<16xi32>], vector<16xf32>,
      %mul3A_1221 = vector.broadcast %squeeze3A_1183 : f32 to vector<16xf32>
      %mul3A_1222 = arith.mulf %mul3A_1221, %get3A_7 : vector<16xf32>
      %add3A_1223 = arith.addf %mul3A_1222, %add3A_24 : vector<16xf32>
      %mul3A_1224 = arith.mulf %gather3A_1220, %add3A_1223 : vector<16xf32>
      %swap3A_1225 = arith.index_cast %add3A_1203 : i32 to index
      %swap3A_1226 = arith.constant 32 : index
      %swap3A_1227 = tpu.vector_load %arg10[%swap3A_1225, %swap3A_1226] {strides = array<i32>} : memref<256x64xf32, #tpu.memory_space<vmem>>, vector<16xf32>,
      tpu.vector_store %arg10[%swap3A_1225, %swap3A_1226], %mul3A_1224 {strides = array<i32>} : memref<256x64xf32, #tpu.memory_space<vmem>>, vector<16xf32>,
      %gather3A_1228 = tpu.vector_load_idx %arg20[%add3A_41, %broadcast_in_dim3A_1181] : memref<64x128xf32, #tpu.memory_space<vmem>>[vector<16xi32>, vector<16xi32>], vector<16xf32>,
      %mul3A_1229 = vector.broadcast %squeeze3A_1183 : f32 to vector<16xf32>
      %mul3A_1230 = arith.mulf %mul3A_1229, %get3A_9 : vector<16xf32>
      %add3A_1231 = arith.addf %mul3A_1230, %add3A_29 : vector<16xf32>
      %mul3A_1232 = arith.mulf %gather3A_1228, %add3A_1231 : vector<16xf32>
      %swap3A_1233 = arith.index_cast %add3A_1203 : i32 to index
      %swap3A_1234 = arith.constant 48 : index
      %swap3A_1235 = tpu.vector_load %arg10[%swap3A_1233, %swap3A_1234] {strides = array<i32>} : memref<256x64xf32, #tpu.memory_space<vmem>>, vector<16xf32>,
      tpu.vector_store %arg10[%swap3A_1233, %swap3A_1234], %mul3A_1232 {strides = array<i32>} : memref<256x64xf32, #tpu.memory_space<vmem>>, vector<16xf32>,
      %add3A_1236 = arith.constant 1 : i32
      %add3A_1237 = arith.addi %scan3A_105, %add3A_1236 : i32
      %lt3A_1238 = arith.constant 32 : i32
      %lt3A_1239 = arith.cmpi slt, %add3A_1237, %lt3A_1238 : i32
      %convert_element_type3A_1240 = arith.extui %lt3A_1239 : i1 to i32
      %cond3A_1241 = arith.constant 0 : i32
      %cond3A_1242 = arith.cmpi ne, %convert_element_type3A_1240, %cond3A_1241 : i32
      scf.if %cond3A_1242 {
        %slice3A_1264 = vector.extract_strided_slice %shift_left3A_134 {offsets = [7], sizes = [1], strides = [1]} : vector<16xi32> to vector<1xi32>
        %squeeze3A_1265 = vector.extract %slice3A_1264[0] : i32 from vector<1xi32>
        %multiple_of3A_1266 = tpu.assume_multiple %squeeze3A_1265, 128 : i32
        %dma_start3A_1267 = arith.constant 0 : i32
        %dma_start3A_1268 = tpu.memref_slice %arg2[%dma_start3A_1267, %multiple_of3A_1266] : memref<64x1000000xf32, #tpu.memory_space<hbm>> -> memref<64x128xf32, #tpu.memory_space<hbm>>
        %dma_start3A_1269 = arith.constant 0 : i32
        %dma_start3A_1270 = tpu.memref_slice %arg2[%dma_start3A_1269, %multiple_of3A_1266] : memref<64x1000000xf32, #tpu.memory_space<hbm>> -> memref<64x128xf32, #tpu.memory_space<hbm>>
        tpu.enqueue_dma source(%dma_start3A_1270 : memref<64x128xf32, #tpu.memory_space<hbm>>) target(%arg20 : memref<64x128xf32, #tpu.memory_space<vmem>>) target_semaphore(%arg28 : memref<!tpu.dma_semaphore, #tpu.memory_space<semaphore_mem>>)
      } else {
      }
      %jit3A_1243 = arith.constant 16 : i32
      %eq3A_1244 = arith.constant 0 : i32
      %eq3A_1245 = arith.cmpi eq, %jit3A_1243, %eq3A_1244 : i32
      %jit3A_1246 = arith.constant 1 : i32
      %select_n3A_1247 = arith.select %eq3A_1245, %jit3A_1246, %jit3A_1243 : i32
      %rem3A_1248 = arith.remsi %scan3A_105, %select_n3A_1247 : i32
      %ne3A_1249 = arith.constant 0 : i32
      %ne3A_1250 = arith.cmpi ne, %rem3A_1248, %ne3A_1249 : i32
      %lt3A_1251 = arith.constant 0 : i32
      %lt3A_1252 = arith.cmpi slt, %rem3A_1248, %lt3A_1251 : i32
      %lt3A_1253 = arith.constant 0 : i32
      %lt3A_1254 = arith.cmpi slt, %select_n3A_1247, %lt3A_1253 : i32
      %ne3A_1255 = arith.xori %lt3A_1252, %lt3A_1254 : i1
      %and3A_1256 = arith.andi %ne3A_1255, %ne3A_1250 : i1
      %add3A_1257 = arith.addi %rem3A_1248, %select_n3A_1247 : i32
      %select_n3A_1258 = arith.select %and3A_1256, %add3A_1257, %rem3A_1248 : i32
      %eq3A_1259 = arith.constant 15 : i32
      %eq3A_1260 = arith.cmpi eq, %select_n3A_1258, %eq3A_1259 : i32
      %convert_element_type3A_1261 = arith.extui %eq3A_1260 : i1 to i32
      %cond3A_1262 = arith.constant 0 : i32
      %cond3A_1263 = arith.cmpi ne, %convert_element_type3A_1261, %cond3A_1262 : i32
      scf.if %cond3A_1263 {
        %jit3A_1264 = arith.constant 16 : i32
        %div3A = arith.divsi %scan3A_105, %jit3A_1264 : i32
        %sign3A = arith.constant 0 : i32
        %sign3A_1265 = arith.cmpi sgt, %scan3A_105, %sign3A : i32
        %sign3A_1266 = arith.extui %sign3A_1265 : i1 to i32
        %sign3A_1267 = arith.constant 0 : i32
        %sign3A_1268 = arith.cmpi slt, %scan3A_105, %sign3A_1267 : i32
        %sign3A_1269 = arith.extui %sign3A_1268 : i1 to i32
        %sign3A_1270 = arith.subi %sign3A_1266, %sign3A_1269 : i32
        %sign3A_1271 = arith.constant 0 : i32
        %sign3A_1272 = arith.cmpi sgt, %jit3A_1264, %sign3A_1271 : i32
        %sign3A_1273 = arith.extui %sign3A_1272 : i1 to i32
        %sign3A_1274 = arith.constant 0 : i32
        %sign3A_1275 = arith.cmpi slt, %jit3A_1264, %sign3A_1274 : i32
        %sign3A_1276 = arith.extui %sign3A_1275 : i1 to i32
        %sign3A_1277 = arith.subi %sign3A_1273, %sign3A_1276 : i32
        %ne3A_1278 = arith.cmpi ne, %sign3A_1270, %sign3A_1277 : i32
        %rem3A_1279 = arith.remsi %scan3A_105, %jit3A_1264 : i32
        %ne3A_1280 = arith.constant 0 : i32
        %ne3A_1281 = arith.cmpi ne, %rem3A_1279, %ne3A_1280 : i32
        %and3A_1282 = arith.andi %ne3A_1278, %ne3A_1281 : i1
        %sub3A = arith.constant 1 : i32
        %sub3A_1283 = arith.subi %div3A, %sub3A : i32
        %select_n3A_1284 = arith.select %and3A_1282, %sub3A_1283, %div3A : i32
        %mul3A_1285 = arith.constant 256 : i32
        %mul3A_1286 = arith.muli %select_n3A_1284, %mul3A_1285 : i32
        %add3A_1287 = arith.addi %mul3A_2, %mul3A_1286 : i32
        "tpu.region"() ({
          %run_scoped3A = tpu.sem_alloc : memref<!tpu.dma_semaphore, #tpu.memory_space<semaphore_mem>>
          %dma_start3A_1288 = arith.constant 0 : i32
          %dma_start3A_1289 = tpu.memref_slice %arg7[%add3A_1287, %dma_start3A_1288] : memref<16384x64xf32, #tpu.memory_space<hbm>> -> memref<256x64xf32, #tpu.memory_space<hbm>>
          %dma_start3A_1290 = arith.constant 0 : i32
          %dma_start3A_1291 = tpu.memref_slice %arg7[%add3A_1287, %dma_start3A_1290] : memref<16384x64xf32, #tpu.memory_space<hbm>> -> memref<256x64xf32, #tpu.memory_space<hbm>>
          tpu.enqueue_dma source(%arg10 : memref<256x64xf32, #tpu.memory_space<vmem>>) target(%dma_start3A_1291 : memref<256x64xf32, #tpu.memory_space<hbm>>) target_semaphore(%run_scoped3A : memref<!tpu.dma_semaphore, #tpu.memory_space<semaphore_mem>>)
          %dma_wait3A_1292 = arith.constant 0 : i32
          %dma_wait3A_1293 = tpu.memref_slice %arg7[%add3A_1287, %dma_wait3A_1292] : memref<16384x64xf32, #tpu.memory_space<hbm>> -> memref<256x64xf32, #tpu.memory_space<hbm>>
          %dma_wait3A_1294 = arith.constant 0 : i32
          %dma_wait3A_1295 = tpu.memref_slice %arg7[%add3A_1287, %dma_wait3A_1294] : memref<16384x64xf32, #tpu.memory_space<hbm>> -> memref<256x64xf32, #tpu.memory_space<hbm>>
          tpu.wait_dma2 semaphore(%run_scoped3A : memref<!tpu.dma_semaphore, #tpu.memory_space<semaphore_mem>>) src(%arg10 : memref<256x64xf32, #tpu.memory_space<vmem>>) dst(%dma_wait3A_1295 : memref<256x64xf32, #tpu.memory_space<hbm>>)
          tpu.yield
        }) : () -> ()
      } else {
      }
    }
    %scan3A_104 = arith.constant 32 : i32
    return
  }
}

</mosaic_0001>

<sc_bundles>
// kernel: _tpe.3.cloned.1.call-start
scs
__scs_entry_jumppad:
0x0: {  	(pc) =	sbr.rel $0x88, $3  }
0x1: {  	(tag) =	ssettag $0x0;
	lr =	simm.s32 $0x1  }
0x2: {  	[smem:$0x3F9C] =	sst lr;
	_ =	strace $0xD0000000  }
0x3: {  	_ = 	snop  }
0x4: {  	_ = 	snop  }
0x5: {  	_ = 	snop  }
0x6: {  	_ = 	snop  }
0x7: {  	_ = 	snop  }
__scs_overlays_trampoline_lowered:
0x8: {  	[smem:$0x3FAB] =	sst s0  }
0x9: {  	[smem:$0x3FAC] =	sst s1  }
0xa: {  	[smem:$0x3FAD] =	sst s2  }
0xb: {  	[smem:$0x3FAE] =	sst s3  }
0xc: {  	[smem:$0x3FAF] =	sst s4  }
0xd: {  	[smem:$0x3FB0] =	sst s5  }
0xe: {  	[smem:$0x3FB1] =	sst s6  }
0xf: {  	[smem:$0x3FB2] =	sst s7  }
0x10: {  	[smem:$0x3FB3] =	sst s8  }
0x11: {  	[smem:$0x3FB4] =	sst s9;
	s0 =	simm.s32 @!p0 $0x0  }
0x12: {  	s1 =	sld [smem:$0x3F9A];
	s0 =	simm.s32 @p0 $0x1  }
0x13: {  	[smem:$0x3FB5] =	sst s0;
	s0 =	simm.s32 @!p1 $0x0  }
0x14: {  	s2 =	sld [smem:$0x3F99];
	s0 =	simm.s32 @p1 $0x1  }
0x15: {  	[smem:$0x3FB6] =	sst s0;
	s0 =	simm.s32 @!p2 $0x0  }
0x16: {  	s3 =	sld [smem:$0x3FDB];
	s0 =	simm.s32 @p2 $0x1  }
0x17: {  	s4 =	simm.s32 $0x1BF5;
	[smem:$0x3FB8] =	sst s0  }
0x18: {  	s0 =	sld [smem:$0x3F9B];
	_ =	swait.ge [sflag:s4], $0x0  }
0x19: {  	s7 =	sld [smem:$0x3F9C]  }
0x1a: {  	s8 =	sadd.s32 $0xFFFFE003, lr  }
0x1b: {  	s9 =	sadd.s32 $0xFFFFFEF7, lr;
	s5 =	simm.s32 $0xFFFFFFFF;
	p2 =	slt.u32 s8, $0xFFFFF086  }
0x1c: {  	p1 =	slt.u32 s9, $0xF7A;
	s5 =	simm.s32 @!p2 $0x0  }
0x1d: {  	s5 =	simm.s32 @p1 $0x1;
	p0 =	seq.s32 s7, s2  }
0x1e: {  	s7 =	smul.u32 @!p0 $0xF7A, s2;
	p2 =	seq.s32 @!p0 s5, $0x0  }
0x1f: {  	s9 =	smul.u32 $0xF7A, s1;
	s8 =	simm.s32 @!p0 $0x1BF5;
	p2 =	por !p2, p0  }
0x20: {  	[sflag:s8] =	ssyncset.s32 @!p0 $0xFFFFF086;
	s6 =	sadd.s32 @!p0 s3, s7;
	s7 =	simm.s32 @!p0 $0x108  }
0x21: {  	s3 =	sadd.s32 s3, s9;
	s6 =	sadd.s32 @!p0 $0x88, s6;
	s7 =	simm.s32 @p2 $0x1082  }
0x22: {  	[simem:s7], [sflag:s8] =	dma.local @!p0 [hbm:s6], $0xF7A  }
0x23: {  	s9 =	sor.u32 $0xD0000000, s2;
	s6 =	simm.s32 $0x108;
	_ =	swait.ge @!p0 [sflag:s8], $0x0  }
0x24: {  	s3 =	sadd.s32 $0x88, s3;
	s6 =	simm.s32 @!p1 $0x1082;
	[sflag:s4] =	ssyncset.s32 $0xFFFFF086  }
0x25: {  	[simem:s6], [sflag:s4] =	dma.local [hbm:s3], $0xF7A  }
0x26: {  	[smem:$0x3F9C] =	sst s1;
	(tag) =	ssettag s2;
	_ =	strace s9  }
0x27: {  	s1 =	sld [smem:$0x3FAC]  }
0x28: {  	s2 =	sld [smem:$0x3FAD]  }
0x29: {  	s4 =	sld [smem:$0x3FAF]  }
0x2a: {  	p0 =	seq.s32 s5, $0x0;
	s5 =	sld [smem:$0x3FB0]  }
0x2b: {  	s6 =	sld [smem:$0x3FB1]  }
0x2c: {  	s7 =	sld [smem:$0x3FB2]  }
0x2d: {  	s3 =	simm.s32 $0x108;
	s8 =	sld [smem:$0x3FB3]  }
0x2e: {  	s3 =	simm.s32 @!p0 $0x1082;
	s9 =	sld [smem:$0x3FB4]  }
0x2f: {  	lr =	sadd.s32 s0, s3;
	s0 =	sld [smem:$0x3FAB]  }
0x30: {  	s3 =	sld [smem:$0x3FAE]  }
0x31: {  	[smem:$0x3FB7] =	sst s10  }
0x32: {  	s10 =	sld [smem:$0x3FB5];
	_ =	sdelay $0x3  }
0x33: {  	p0 =	seq.s32 s10, $0x1;
	s10 =	sld [smem:$0x3FB7];
	_ =	sdelay $0x3  }
0x34: {  	[smem:$0x3FB7] =	sst s10  }
0x35: {  	s10 =	sld [smem:$0x3FB6];
	_ =	sdelay $0x3  }
0x36: {  	p1 =	seq.s32 s10, $0x1;
	s10 =	sld [smem:$0x3FB7];
	_ =	sdelay $0x3  }
0x37: {  	[smem:$0x3FB7] =	sst s10  }
0x38: {  	s10 =	sld [smem:$0x3FB8]  }
0x39: {  	_ = 	snop;
	(pc) =	sbr.ind lr, $3  }
0x3a: {  	_ = 	snop  }
0x3b: {  	_ = 	snop  }
0x3c: {  	p2 =	seq.s32 s10, $0x1;
	s10 =	sld [smem:$0x3FB7]  }
0x3d: {  	_ =	shalt  }
0x3e: {  	_ =	shalt  }
0x3f: {  	_ =	shalt  }
0x40: {  	_ =	shalt  }
0x41: {  	_ =	shalt  }
0x42: {  	_ =	shalt  }
0x43: {  	_ =	shalt  }
0x44: {  	_ =	shalt  }
0x45: {  	_ =	shalt  }
0x46: {  	_ =	shalt  }
0x47: {  	_ =	shalt  }
0x48: {  	_ =	shalt  }
0x49: {  	_ =	shalt  }
0x4a: {  	_ =	shalt  }
0x4b: {  	_ =	shalt  }
0x4c: {  	_ =	shalt  }
0x4d: {  	_ =	shalt  }
0x4e: {  	_ =	shalt  }
0x4f: {  	_ =	shalt  }
0x50: {  	_ =	shalt  }
0x51: {  	_ =	shalt  }
0x52: {  	_ =	shalt  }
0x53: {  	_ =	shalt  }
0x54: {  	_ =	shalt  }
0x55: {  	_ =	shalt  }
0x56: {  	_ =	shalt  }
0x57: {  	_ =	shalt  }
0x58: {  	_ =	shalt  }
0x59: {  	_ =	shalt  }
0x5a: {  	_ =	shalt  }
0x5b: {  	_ =	shalt  }
0x5c: {  	_ =	shalt  }
0x5d: {  	_ =	shalt  }
0x5e: {  	_ =	shalt  }
0x5f: {  	_ =	shalt  }
0x60: {  	_ =	shalt  }
0x61: {  	_ =	shalt  }
0x62: {  	_ =	shalt  }
0x63: {  	_ =	shalt  }
0x64: {  	_ =	shalt  }
0x65: {  	_ =	shalt  }
0x66: {  	_ =	shalt  }
0x67: {  	_ =	shalt  }
0x68: {  	_ =	shalt  }
0x69: {  	_ =	shalt  }
0x6a: {  	_ =	shalt  }
0x6b: {  	_ =	shalt  }
0x6c: {  	_ =	shalt  }
0x6d: {  	_ =	shalt  }
0x6e: {  	_ =	shalt  }
0x6f: {  	_ =	shalt  }
0x70: {  	_ =	shalt  }
0x71: {  	_ =	shalt  }
0x72: {  	_ =	shalt  }
0x73: {  	_ =	shalt  }
0x74: {  	_ =	shalt  }
0x75: {  	_ =	shalt  }
0x76: {  	_ =	shalt  }
0x77: {  	_ =	shalt  }
0x78: {  	_ =	shalt  }
0x79: {  	_ =	shalt  }
0x7a: {  	_ =	shalt  }
0x7b: {  	_ =	shalt  }
0x7c: {  	_ =	shalt  }
0x7d: {  	_ =	shalt  }
0x7e: {  	_ =	shalt  }
0x7f: {  	_ =	shalt  }
0x80: {  	_ =	shalt  }
0x81: {  	_ =	shalt  }
0x82: {  	_ =	shalt  }
0x83: {  	_ =	shalt  }
0x84: {  	_ =	shalt  }
0x85: {  	_ =	shalt  }
0x86: {  	_ =	shalt  }
0x87: {  	_ =	shalt  }
.Lfunc_end0:
.L_simem_size_0:
called_computation_lowered:
.L_overlay_start_0:
0x88: {  	s2 =	sld [smem:$0x3FD9]  }
0x89: {  	s3 =	sld [smem:$0x3FFE];
	_ =	sdelay $0x1  }
0x8a: {  	s1 =	srdreg.scid  }
0x8b: {  	s0 =	sand.u32 $0x1, s1  }
0x8c: {  	s17 =	sshll.u32 s0, $0xA;
	s2 =	sadd.s32 s3, s2  }
0x8d: {  	s2 =	sadd.s32 s2, s17  }
0x8e: {  	[smem:$0x3FC3] =	sst s2  }
0x8f: {  	_ = 	snop  }
0x90: {  	s2 =	sld [smem:$0x3FC9]  }
0x91: {  	s18 =	sld [smem:$0x3FC8]  }
0x92: {  	s4 =	sld [smem:$0x3FC7]  }
0x93: {  	s5 =	sld [smem:$0x3FC6]  }
0x94: {  	s6 =	sld [smem:$0x3FC5];
	(tm) =	ssettm $0x1  }
0x95: {  	s7 =	sld [smem:$0x3FFB];
	_ =	sdelay $0x3  }
0x96: {  	_ =	strace s7  }
0x97: {  	s7 =	sld [smem:$0x3FFC];
	_ =	sdelay $0x3  }
0x98: {  	_ =	strace s7  }
0x99: {  	s7 =	sld [smem:$0x3FFD];
	_ =	sdelay $0x3  }
0x9a: {  	_ =	strace s7  }
0x9b: {  	_ =	strace $0x8FFFFFFF  }
0x9c: {  	s19 =	sld [smem:$0x3FDB];
	_ =	sdelay $0x1  }
0x9d: {  	s8 =	simm.s32 $_scs_section_size  }
0x9e: {  	s9 =	simm.s32 $_size__tile_overlayer_lowered;
	s10 =	simm.s32 $_tile_overlayer_lowered  }
0x9f: {  	s22 =	simm.s32 $0x1BFF;
	s21 =	sshll.u32 s10, $0x1;
	s7 =	sadd.s32 s8, s19  }
0xa0: {  	s11 =	simm.s32 $0x0;
	s20 =	sshll.u32 s9, $0x1;
	s9 =	sadd.s32 s21, s7  }
0xa1: {  	[timem:s11], [sflag:s22] =	dma.local [hbm:s9], s20  }
0xa2: {  	_ =	swait.ge [sflag:s22], s20  }
0xa3: {  	s8 =	ssub.s32 $0x0, s20;
	[sflag:s22] =	ssyncset.done $0x0  }
0xa4: {  	[sflag:s22] =	ssyncadd.s32 s8;
	_ =	sdelay $0x1  }
0xa5: {  	s23 =	simm.s32 $0x1B8B  }
0xa6: {  	_ =	swait.ge [sflag:s23], $0x1  }
0xa7: {  	[sflag:s23] =	ssyncset.done $0x0  }
0xa8: {  	s25 =	simm.s32 $0x1B8E;
	s24 =	sld [smem:$0x3FFE];
	[sflag:s23] =	ssyncadd.s32 $0xFFFFFFFF  }
0xa9: {  	s26 =	simm.s32 $execute0_lowered;
	[smem:$0x3FD2] =	sst s25  }
0xaa: {  	s9 =	sshll.u32 s26, $0x1;
	_ =	strace $0x80000046;
	[dreg:$0x1] =	wrdreg $0xFFFFFFFF  }
0xab: {  	s28 =	simm.s32 $_size_execute0_lowered;
	s7 =	sadd.s32 s7, s9;
	[dreg:$0x0] =	wrdreg $0x0  }
0xac: {  	s9 =	sshll.u32 s28, $0x1;
	[dreg:$0x2] =	wrdreg s7  }
0xad: {  	[dreg:$0x3] =	wrdreg s9  }
0xae: {  	[dreg:$0x4] =	wrdreg $0xC0  }
0xaf: {  	_ =	task [dreg:s11], $0x5FFFF  }
0xb0: {  	[dreg:$0x1] =	wrdreg $0xFFFFFFFF  }
0xb1: {  	[dreg:$0x0] =	wrdreg $0x60  }
0xb2: {  	[dreg:$0x2] =	wrdreg s2  }
0xb3: {  	[dreg:$0x3] =	wrdreg s18  }
0xb4: {  	[dreg:$0x4] =	wrdreg s4  }
0xb5: {  	[dreg:$0x5] =	wrdreg s5  }
0xb6: {  	[dreg:$0x6] =	wrdreg s6  }
0xb7: {  	[dreg:$0x7] =	wrdreg s24  }
0xb8: {  	[dreg:$0x8] =	wrdreg $0x9  }
0xb9: {  	_ =	task.clear_ibuf [dreg:s11], $0x9FFFF;
	_ =	strace $0x90000046  }
0xba: {  	s29 =	simm.s32 $0x9;
	_ =	strace $0x80000048  }
0xbb: {  	_ =	swait.ge [sflag:s29], $0x1  }
0xbc: {  	[sflag:s29] =	ssyncadd.s32 $0xFFFFFFFF  }
0xbd: {  	_ =	strace $0x90000048  }
0xbe: {  	_ =	sfence  }
0xbf: {  	s30 =	sld [smem:$0x0];
	_ =	sdelay $0x2  }
0xc0: {  	s31 =	sshll.u32 s1, $0xD;
	s1 =	sshrl.u32 s1, $0x2  }
0xc1: {  	s3 =	sand.u32 $0x4000, s31;
	s1 =	sadd.s32 s1, s30  }
0xc2: {  	s0 =	sor.u32 s3, s0;
	s1 =	sshll.u32 s1, $0x11  }
0xc3: {  	s0 =	sor.u32 s1, s0  }
0xc4: {  	s0 =	sadd.s32 $0x8F2B, s0  }
0xc5: {  	[sflag:s0] =	ssyncadd.remote.s32 $0x1  }
0xc6: {  	_ =	sfence.sel $0xFFFF  }
0xc7: {  	[dreg:$0x0] =	wrdreg $0xFFFFFFFF;
	(pc) =	sbr.abs _section_cstart, $3  }
0xc8: {  	[dreg:$0x1] =	wrdreg $0xFFFFFFFF  }
0xc9: {  	_ =	task.clear_ibuf [dreg:s11], $0x2FFFF;
	_ =	strace $0x9FFFFFFF  }
0xca: {  	(tm) =	ssettm $0x7FFFFFFF  }
0xcb: {  	_ =	shalt  }
tec
execute0_lowered:
.L_overlay_start_1:
0x0: {  	(tag) =	ssettag $0x1  }
0x1: {  	s0 =	rddreg [dreg:$0x0]  }
0x2: {  	s1 =	rddreg [dreg:$0x1]  }
0x3: {  	s2 =	rddreg [dreg:$0x2]  }
0x4: {  	s3 =	rddreg [dreg:$0x5]  }
0x5: {  	s4 =	srdreg.scid;
	s5 =	stileid.u32;
	s8 =	simm.s32 $0x0  }
0x6: {  	s10 =	simm.s32 $0x9;
	s13 =	simm.s32 $0x400;
	s14 =	simm.s32 $0x7A1400  }
0x7: {  	s15 =	simm.s32 $0x8500;
	s16 =	simm.s32 $0xA500;
	s17 =	simm.s32 $0xC500  }
0x8: {  	s18 =	simm.s32 $0xE500;
	s19 =	simm.s32 $0x10500;
	s20 =	simm.s32 $0x12500  }
0x9: {  	s21 =	simm.s32 $0x14500;
	s22 =	simm.s32 $0x16500;
	s23 =	simm.s32 $0x1  }
0xa: {  	s28 =	simm.s32 $0x5;
	s29 =	simm.s32 $0x6;
	s30 =	simm.s32 $0x7  }
0xb: {  	s31 =	simm.s32 $0x8;
	s4 =	sand.u32 $0x1, s4;
	s6 =	sshll.u32 s5, $0xA  }
0xc: {  	[smem:$0x7FF] =	sst s8;
	s7 =	sshll.u32 s4, $0x9;
	s4 =	ssub.s32 $0x2, s4  }
0xd: {  	_ =	strace $0x80000047;
	s6 =	sor.u32 s7, s6;
	s24 =	sshrl.u32 s4, $0x1  }
0xe: {  	s7 =	sshll.u32 s6, $0x4;
	s6 =	sshrl.u32 s6, $0x3;
	s4 =	ssub.s32 s4, s24  }
0xf: {  	v0 =	vlaneseq.u32;
	s24 =	simm.s32 $0x2;
	s3 =	sadd.s32 s7, s3;
	s1 =	sadd.s32 s1, s6  }
0x10: {  	v0 =	vmul.u32 $0x80, v0;
	s25 =	sadd.s32 s2, s6;
	s26 =	smax.u32 s4, $0x1;
	[dreg:$0x7] =	wrdreg s1  }
0x11: {  	s2 =	simm.s32 $0x0;
	[dreg:$0x8] =	wrdreg s25;
	s8 =	sadd.s32 $0x400, s3  }
0x12: {  	v1 =	vor.u32 $0x800, v0;
	v2 =	vor.u32 $0x1000, v0;
	v3 =	vor.u32 $0x1800, v0;
	[dreg:$0x9] =	wrdreg s26;
	s25 =	simm.s32 $0x3;
	s26 =	simm.s32 $0x4  }
.LBB2_1:
0x13: {  	[dreg:$0xa] =	wrdreg s2  }
0x14: {  	s6 =	simm.s32 $0x0;
	s1 =	rddreg [dreg:$0x7]  }
0x15: {  	[tilespmem:s6], [sflag:$0x9] =	stream.linear.gather [hbm4b:s1+s6], $0x200, $0x38;
	[tilespmem:$0x18500] =	vst v63  }
0x16: {  	_ =	swait.ge [sflag:s10], $0x200  }
0x17: {  	[sflag:s10] =	ssyncset.done $0x0  }
0x18: {  	s3 =	simm.s32 $0x200;
	s7 =	rddreg [dreg:$0x8];
	[sflag:s10] =	ssyncadd.s32 $0xFFFFFE00  }
0x19: {  	[tilespmem:s3], [sflag:$0x9] =	stream.linear.gather [hbm4b:s7+s6], $0x200, $0x38;
	[tilespmem:$0x18500] =	vst v63  }
0x1a: {  	_ =	swait.ge [sflag:s10], $0x200  }
0x1b: {  	[sflag:s10] =	ssyncset.done $0x0  }
0x1c: {  	[sflag:s10] =	ssyncadd.s32 $0xFFFFFE00  }
0x1d: {  	s4 =	simm.s32 $0x8400;
	s9 =	rddreg [dreg:$0x3]  }
0x1e: {  	[tilespmem:s4], [sflag:$0x9] =	stream.linear.gather [hbm4b:s9+s6], $0x80, $0x38;
	[tilespmem:$0x18500] =	vst v63  }
0x1f: {  	_ =	swait.ge [sflag:s10], $0x80  }
0x20: {  	[sflag:s10] =	ssyncset.done $0x0  }
0x21: {  	[sflag:s10] =	ssyncadd.s32 $0xFFFFFF80  }
0x22: {  	s12 =	simm.s32 $0x8480;
	s11 =	rddreg [dreg:$0x4]  }
0x23: {  	[tilespmem:s12], [sflag:$0x9] =	stream.linear.gather [hbm4b:s11+s6], $0x80, $0x38;
	[tilespmem:$0x18500] =	vst v63  }
0x24: {  	_ =	swait.ge [sflag:s10], $0x80  }
0x25: {  	[sflag:s10] =	ssyncset.done $0x0  }
0x26: {  	[sflag:s10] =	ssyncadd.s32 $0xFFFFFF80  }
0x27: {  	v4 =	vld [tilespmem:$0x0];
	_ =	sdelay $0x4  }
0x28: {  	v4 =	vand.u32 $0xFFFFFF80, v4  }
0x29: {  	v8 =	vadd.s32 s0, v4  }
0x2a: {  	(v2sf) =	vpush v8, $0x0;
	_ =	sdelay $0x1  }
0x2b: {  	(v2sf) =	vpush v8, $0x1;
	_ =	sdelay $0x1  }
0x2c: {  	(v2sf) =	vpush v8, $0x2;
	_ =	sdelay $0x1  }
0x2d: {  	(v2sf) =	vpush v8, $0x3;
	_ =	sdelay $0x1  }
0x2e: {  	(v2sf) =	vpush v8, $0x4  }
0x2f: {  	v5 =	vld [tilespmem:$0x8410]  }
0x30: {  	v6 =	vld [tilespmem:$0x8420];
	(v2sf) =	vpush v8, $0x5  }
0x31: {  	v7 =	vld [tilespmem:$0x8430]  }
0x32: {  	v9 =	vld [tilespmem:$0x8480];
	(v2sf) =	vpush v8, $0x6  }
0x33: {  	v10 =	vld [tilespmem:$0x8490]  }
0x34: {  	v11 =	vld [tilespmem:$0x84A0];
	(v2sf) =	vpush v8, $0x7  }
0x35: {  	v12 =	vld [tilespmem:$0x84B0];
	s1 =	spop (v2sf)  }
0x36: {  	v4 =	vld [tilespmem:$0x8400];
	[tilespmem:s15], [sflag:$0x1] =	stream.strided.gather [hbm4b:s1+s13], $0x2000, s14, s13, $0x38  }
0x37: {  	s4 =	spop (v2sf)  }
0x38: {  	[tilespmem:s16], [sflag:$0x2] =	stream.strided.gather [hbm4b:s4+s13], $0x2000, s14, s13, $0x38;
	[tilespmem:$0x18500] =	vst v63  }
0x39: {  	s5 =	spop (v2sf)  }
0x3a: {  	[tilespmem:s17], [sflag:$0x3] =	stream.strided.gather [hbm4b:s5+s13], $0x2000, s14, s13, $0x38;
	[tilespmem:$0x18500] =	vst v63  }
0x3b: {  	s6 =	spop (v2sf)  }
0x3c: {  	[tilespmem:s18], [sflag:$0x4] =	stream.strided.gather [hbm4b:s6+s13], $0x2000, s14, s13, $0x38;
	[tilespmem:$0x18500] =	vst v63  }
0x3d: {  	s7 =	spop (v2sf)  }
0x3e: {  	[tilespmem:s19], [sflag:$0x5] =	stream.strided.gather [hbm4b:s7+s13], $0x2000, s14, s13, $0x38;
	[tilespmem:$0x18500] =	vst v63  }
0x3f: {  	s9 =	spop (v2sf)  }
0x40: {  	[tilespmem:s20], [sflag:$0x6] =	stream.strided.gather [hbm4b:s9+s13], $0x2000, s14, s13, $0x38;
	[tilespmem:$0x18500] =	vst v63  }
0x41: {  	s2 =	simm.s32 $0x0;
	s11 =	spop (v2sf)  }
0x42: {  	[tilespmem:s21], [sflag:$0x7] =	stream.strided.gather [hbm4b:s11+s13], $0x2000, s14, s13, $0x38;
	[tilespmem:$0x18500] =	vst v63  }
0x43: {  	v8 =	vadd.f32 $1.000000000e+00, v9;
	v9 =	vadd.f32 $1.000000000e+00, v10;
	s4 =	simm.s32 $0x0;
	s12 =	spop (v2sf);
	s7 =	simm.s32 $0x0  }
0x44: {  	v10 =	vadd.f32 $1.000000000e+00, v11;
	v11 =	vadd.f32 $1.000000000e+00, v12;
	[tilespmem:s22], [sflag:$0x8] =	stream.strided.gather [hbm4b:s12+s13], $0x2000, s14, s13, $0x38;
	[tilespmem:$0x18500] =	vst v63  }
.LBB2_2:
0x45: {  	v15 =	vld [tilespmem:s4+$0x0];
	_ =	sdelay $0x4  }
0x46: {  	v13 =	vand.u32 $0x7F, v15  }
0x47: {  	v16 =	vbroadcast v13, $0x0  }
0x48: {  	s11 =	smov.u32 s7;
	s7 =	sadd.s32 $0x1, s7;
	v12 =	vld [tilespmem:s3+$0x0]  }
0x49: {  	s6 =	smin.u32 s7, $0x1F;
	v17 =	vor.u32 v0, v16  }
0x4a: {  	s6 =	sshll.u32 s6, $0x4  }
0x4b: {  	v14 =	vld [tilespmem:s6+$0x0];
	_ =	swait.ge [sflag:s23], $0x2000  }
0x4c: {  	[sflag:s23] =	ssyncset.done $0x0  }
0x4d: {  	[sflag:s23] =	ssyncadd.s32 $0xFFFFE000;
	v18 =	vbroadcast v12, $0x0  }
0x4e: {  	v17 =	vld.idx.msk [tilespmem:v17+s15+$0x0], $0xffff  }
0x4f: {  	v19 =	vmul.f32 v18, v4;
	_ =	sdelay $0x1  }
0x50: {  	v20 =	vor.u32 v1, v16;
	v19 =	vadd.f32 v19, v8;
	_ =	sdelay $0x1  }
0x51: {  	s12 =	sand.u32 $0xF, s11;
	v17 =	vmul.f32 v17, v19  }
0x52: {  	s6 =	sshll.u32 s12, $0xB  }
0x53: {  	[tilespmem:s6+$0x400] =	vst v17  }
0x54: {  	v17 =	vld.idx.msk [tilespmem:v20+s15+$0x0], $0xffff  }
0x55: {  	v53 =	vmul.f32 v18, v5;
	_ =	sdelay $0x1  }
0x56: {  	v54 =	vor.u32 v2, v16;
	v19 =	vadd.f32 v53, v9;
	_ =	sdelay $0x1  }
0x57: {  	v17 =	vmul.f32 v17, v19  }
0x58: {  	v15 =	vand.u32 $0xFFFFFF80, v15  }
0x59: {  	v15 =	vadd.s32 s0, v15;
	[tilespmem:s6+$0x410] =	vst v17  }
0x5a: {  	(v2sf) =	vpush v15, $0x8;
	v17 =	vld.idx.msk [tilespmem:v54+s15+$0x0], $0xffff  }
0x5b: {  	v55 =	vmul.f32 v18, v6;
	_ =	sdelay $0x1  }
0x5c: {  	v16 =	vor.u32 v3, v16;
	v19 =	vadd.f32 v55, v10;
	_ =	sdelay $0x1  }
0x5d: {  	v17 =	vmul.f32 v17, v19;
	_ =	sdelay $0x1  }
0x5e: {  	[tilespmem:s6+$0x420] =	vst v17  }
0x5f: {  	v16 =	vld.idx.msk [tilespmem:v16+s15+$0x0], $0xffff  }
0x60: {  	v56 =	vmul.f32 v18, v7;
	_ =	sdelay $0x1  }
0x61: {  	v17 =	vadd.f32 v56, v11;
	_ =	sdelay $0x1  }
0x62: {  	v57 =	vbroadcast v13, $0x1;
	v16 =	vmul.f32 v16, v17;
	_ =	sdelay $0x1  }
0x63: {  	v58 =	vor.u32 v0, v57;
	s9 =	spop (v2sf);
	[tilespmem:s6+$0x430] =	vst v16  }
0x64: {  	[tilespmem:s15], [sflag:$0x1] =	stream.strided.gather [hbm4b:s9+s13], $0x2000, s14, s13, $0x38;
	[tilespmem:$0x18500] =	vst v63  }
0x65: {  	_ =	swait.ge [sflag:s24], $0x2000  }
0x66: {  	[sflag:s24] =	ssyncset.done $0x0  }
0x67: {  	v59 =	vbroadcast v12, $0x1;
	[sflag:s24] =	ssyncadd.s32 $0xFFFFE000  }
0x68: {  	v16 =	vld.idx.msk [tilespmem:v58+s16+$0x0], $0xffff  }
0x69: {  	v60 =	vmul.f32 v59, v4;
	_ =	sdelay $0x1  }
0x6a: {  	v61 =	vor.u32 v1, v57;
	v19 =	vadd.f32 v60, v8;
	_ =	sdelay $0x1  }
0x6b: {  	v16 =	vmul.f32 v16, v19;
	_ =	sdelay $0x1  }
0x6c: {  	[tilespmem:s6+$0x480] =	vst v16  }
0x6d: {  	v16 =	vld.idx.msk [tilespmem:v61+s16+$0x0], $0xffff  }
0x6e: {  	v62 =	vmul.f32 v59, v5;
	_ =	sdelay $0x1  }
0x6f: {  	v63 =	vor.u32 v2, v57;
	v19 =	vadd.f32 v62, v9;
	_ =	sdelay $0x1  }
0x70: {  	v16 =	vmul.f32 v16, v19;
	_ =	sdelay $0x1  }
0x71: {  	[tilespmem:s6+$0x490] =	vst v16  }
0x72: {  	(v2sf) =	vpush v15, $0x9;
	v16 =	vld.idx.msk [tilespmem:v63+s16+$0x0], $0xffff  }
0x73: {  	v23 =	vmul.f32 v59, v6;
	_ =	sdelay $0x1  }
0x74: {  	v17 =	vor.u32 v3, v57;
	v19 =	vadd.f32 v23, v10;
	_ =	sdelay $0x1  }
0x75: {  	v16 =	vmul.f32 v16, v19;
	_ =	sdelay $0x1  }
0x76: {  	[tilespmem:s6+$0x4A0] =	vst v16  }
0x77: {  	v16 =	vld.idx.msk [tilespmem:v17+s16+$0x0], $0xffff  }
0x78: {  	v24 =	vmul.f32 v59, v7;
	_ =	sdelay $0x1  }
0x79: {  	v17 =	vadd.f32 v24, v11;
	_ =	sdelay $0x1  }
0x7a: {  	v25 =	vbroadcast v13, $0x2;
	v16 =	vmul.f32 v16, v17;
	_ =	sdelay $0x1  }
0x7b: {  	v26 =	vor.u32 v0, v25;
	s5 =	spop (v2sf);
	[tilespmem:s6+$0x4B0] =	vst v16  }
0x7c: {  	[tilespmem:s16], [sflag:$0x2] =	stream.strided.gather [hbm4b:s5+s13], $0x2000, s14, s13, $0x38;
	[tilespmem:$0x18500] =	vst v63  }
0x7d: {  	_ =	swait.ge [sflag:s25], $0x2000  }
0x7e: {  	[sflag:s25] =	ssyncset.done $0x0  }
0x7f: {  	v27 =	vbroadcast v12, $0x2;
	[sflag:s25] =	ssyncadd.s32 $0xFFFFE000  }
0x80: {  	v16 =	vld.idx.msk [tilespmem:v26+s17+$0x0], $0xffff  }
0x81: {  	v28 =	vmul.f32 v27, v4;
	_ =	sdelay $0x1  }
0x82: {  	v29 =	vor.u32 v1, v25;
	v19 =	vadd.f32 v28, v8;
	_ =	sdelay $0x1  }
0x83: {  	v16 =	vmul.f32 v16, v19;
	_ =	sdelay $0x1  }
0x84: {  	[tilespmem:s6+$0x500] =	vst v16  }
0x85: {  	v16 =	vld.idx.msk [tilespmem:v29+s17+$0x0], $0xffff  }
0x86: {  	v30 =	vmul.f32 v27, v5;
	_ =	sdelay $0x1  }
0x87: {  	v31 =	vor.u32 v2, v25;
	v19 =	vadd.f32 v30, v9;
	_ =	sdelay $0x1  }
0x88: {  	v16 =	vmul.f32 v16, v19;
	_ =	sdelay $0x1  }
0x89: {  	[tilespmem:s6+$0x510] =	vst v16  }
0x8a: {  	(v2sf) =	vpush v15, $0xA;
	v16 =	vld.idx.msk [tilespmem:v31+s17+$0x0], $0xffff  }
0x8b: {  	v32 =	vmul.f32 v27, v6;
	_ =	sdelay $0x1  }
0x8c: {  	v17 =	vor.u32 v3, v25;
	v19 =	vadd.f32 v32, v10;
	_ =	sdelay $0x1  }
0x8d: {  	v16 =	vmul.f32 v16, v19;
	_ =	sdelay $0x1  }
0x8e: {  	[tilespmem:s6+$0x520] =	vst v16  }
0x8f: {  	v16 =	vld.idx.msk [tilespmem:v17+s17+$0x0], $0xffff  }
0x90: {  	v33 =	vmul.f32 v27, v7;
	_ =	sdelay $0x1  }
0x91: {  	v17 =	vadd.f32 v33, v11;
	_ =	sdelay $0x1  }
0x92: {  	v34 =	vbroadcast v13, $0x3;
	v16 =	vmul.f32 v16, v17;
	_ =	sdelay $0x1  }
0x93: {  	v35 =	vor.u32 v0, v34;
	s1 =	spop (v2sf);
	[tilespmem:s6+$0x530] =	vst v16  }
0x94: {  	[tilespmem:s17], [sflag:$0x3] =	stream.strided.gather [hbm4b:s1+s13], $0x2000, s14, s13, $0x38;
	[tilespmem:$0x18500] =	vst v63  }
0x95: {  	_ =	swait.ge [sflag:s26], $0x2000  }
0x96: {  	[sflag:s26] =	ssyncset.done $0x0  }
0x97: {  	v36 =	vbroadcast v12, $0x3;
	[sflag:s26] =	ssyncadd.s32 $0xFFFFE000  }
0x98: {  	v16 =	vld.idx.msk [tilespmem:v35+s18+$0x0], $0xffff  }
0x99: {  	v37 =	vmul.f32 v36, v4;
	_ =	sdelay $0x1  }
0x9a: {  	v38 =	vor.u32 v1, v34;
	v19 =	vadd.f32 v37, v8;
	_ =	sdelay $0x1  }
0x9b: {  	v16 =	vmul.f32 v16, v19;
	_ =	sdelay $0x1  }
0x9c: {  	[tilespmem:s6+$0x580] =	vst v16  }
0x9d: {  	v16 =	vld.idx.msk [tilespmem:v38+s18+$0x0], $0xffff  }
0x9e: {  	v39 =	vmul.f32 v36, v5;
	_ =	sdelay $0x1  }
0x9f: {  	v40 =	vor.u32 v2, v34;
	v19 =	vadd.f32 v39, v9;
	_ =	sdelay $0x1  }
0xa0: {  	v16 =	vmul.f32 v16, v19;
	_ =	sdelay $0x1  }
0xa1: {  	[tilespmem:s6+$0x590] =	vst v16  }
0xa2: {  	(v2sf) =	vpush v15, $0xB;
	v16 =	vld.idx.msk [tilespmem:v40+s18+$0x0], $0xffff  }
0xa3: {  	v41 =	vmul.f32 v36, v6;
	_ =	sdelay $0x1  }
0xa4: {  	v17 =	vor.u32 v3, v34;
	v19 =	vadd.f32 v41, v10;
	_ =	sdelay $0x1  }
0xa5: {  	v16 =	vmul.f32 v16, v19;
	_ =	sdelay $0x1  }
0xa6: {  	[tilespmem:s6+$0x5A0] =	vst v16  }
0xa7: {  	v16 =	vld.idx.msk [tilespmem:v17+s18+$0x0], $0xffff  }
0xa8: {  	v42 =	vmul.f32 v36, v7;
	_ =	sdelay $0x1  }
0xa9: {  	v17 =	vadd.f32 v42, v11;
	_ =	sdelay $0x1  }
0xaa: {  	v43 =	vbroadcast v13, $0x4;
	v16 =	vmul.f32 v16, v17;
	_ =	sdelay $0x1  }
0xab: {  	v44 =	vor.u32 v0, v43;
	s5 =	spop (v2sf);
	[tilespmem:s6+$0x5B0] =	vst v16  }
0xac: {  	[tilespmem:s18], [sflag:$0x4] =	stream.strided.gather [hbm4b:s5+s13], $0x2000, s14, s13, $0x38;
	[tilespmem:$0x18500] =	vst v63  }
0xad: {  	_ =	swait.ge [sflag:s28], $0x2000  }
0xae: {  	[sflag:s28] =	ssyncset.done $0x0  }
0xaf: {  	v45 =	vbroadcast v12, $0x4;
	[sflag:s28] =	ssyncadd.s32 $0xFFFFE000  }
0xb0: {  	v16 =	vld.idx.msk [tilespmem:v44+s19+$0x0], $0xffff  }
0xb1: {  	v46 =	vmul.f32 v45, v4;
	_ =	sdelay $0x1  }
0xb2: {  	v47 =	vor.u32 v1, v43;
	v19 =	vadd.f32 v46, v8;
	_ =	sdelay $0x1  }
0xb3: {  	v16 =	vmul.f32 v16, v19;
	_ =	sdelay $0x1  }
0xb4: {  	[tilespmem:s6+$0x600] =	vst v16  }
0xb5: {  	v16 =	vld.idx.msk [tilespmem:v47+s19+$0x0], $0xffff  }
0xb6: {  	v48 =	vmul.f32 v45, v5;
	_ =	sdelay $0x1  }
0xb7: {  	v49 =	vor.u32 v2, v43;
	v19 =	vadd.f32 v48, v9;
	_ =	sdelay $0x1  }
0xb8: {  	v16 =	vmul.f32 v16, v19;
	_ =	sdelay $0x1  }
0xb9: {  	[tilespmem:s6+$0x610] =	vst v16  }
0xba: {  	(v2sf) =	vpush v15, $0xC;
	v16 =	vld.idx.msk [tilespmem:v49+s19+$0x0], $0xffff  }
0xbb: {  	v50 =	vmul.f32 v45, v6;
	_ =	sdelay $0x1  }
0xbc: {  	v17 =	vor.u32 v3, v43;
	v19 =	vadd.f32 v50, v10;
	_ =	sdelay $0x1  }
0xbd: {  	v16 =	vmul.f32 v16, v19;
	_ =	sdelay $0x1  }
0xbe: {  	[tilespmem:s6+$0x620] =	vst v16  }
0xbf: {  	v16 =	vld.idx.msk [tilespmem:v17+s19+$0x0], $0xffff  }
0xc0: {  	v51 =	vmul.f32 v45, v7;
	_ =	sdelay $0x1  }
0xc1: {  	v17 =	vadd.f32 v51, v11;
	_ =	sdelay $0x1  }
0xc2: {  	v52 =	vbroadcast v13, $0x5;
	v16 =	vmul.f32 v16, v17;
	_ =	sdelay $0x1  }
0xc3: {  	v53 =	vor.u32 v0, v52;
	s1 =	spop (v2sf);
	[tilespmem:s6+$0x630] =	vst v16  }
0xc4: {  	[tilespmem:s19], [sflag:$0x5] =	stream.strided.gather [hbm4b:s1+s13], $0x2000, s14, s13, $0x38;
	[tilespmem:$0x18500] =	vst v63  }
0xc5: {  	_ =	swait.ge [sflag:s29], $0x2000  }
0xc6: {  	[sflag:s29] =	ssyncset.done $0x0  }
0xc7: {  	v54 =	vbroadcast v12, $0x5;
	[sflag:s29] =	ssyncadd.s32 $0xFFFFE000  }
0xc8: {  	v16 =	vld.idx.msk [tilespmem:v53+s20+$0x0], $0xffff  }
0xc9: {  	v55 =	vmul.f32 v54, v4;
	_ =	sdelay $0x1  }
0xca: {  	v56 =	vor.u32 v1, v52;
	v19 =	vadd.f32 v55, v8;
	_ =	sdelay $0x1  }
0xcb: {  	v16 =	vmul.f32 v16, v19;
	_ =	sdelay $0x1  }
0xcc: {  	[tilespmem:s6+$0x680] =	vst v16  }
0xcd: {  	v16 =	vld.idx.msk [tilespmem:v56+s20+$0x0], $0xffff  }
0xce: {  	v57 =	vmul.f32 v54, v5;
	_ =	sdelay $0x1  }
0xcf: {  	v58 =	vor.u32 v2, v52;
	v19 =	vadd.f32 v57, v9;
	_ =	sdelay $0x1  }
0xd0: {  	v16 =	vmul.f32 v16, v19;
	_ =	sdelay $0x1  }
0xd1: {  	[tilespmem:s6+$0x690] =	vst v16  }
0xd2: {  	(v2sf) =	vpush v15, $0xD;
	v16 =	vld.idx.msk [tilespmem:v58+s20+$0x0], $0xffff  }
0xd3: {  	v59 =	vmul.f32 v54, v6;
	_ =	sdelay $0x1  }
0xd4: {  	v17 =	vor.u32 v3, v52;
	v19 =	vadd.f32 v59, v10;
	_ =	sdelay $0x1  }
0xd5: {  	v16 =	vmul.f32 v16, v19;
	_ =	sdelay $0x1  }
0xd6: {  	[tilespmem:s6+$0x6A0] =	vst v16  }
0xd7: {  	v16 =	vld.idx.msk [tilespmem:v17+s20+$0x0], $0xffff  }
0xd8: {  	v60 =	vmul.f32 v54, v7;
	_ =	sdelay $0x1  }
0xd9: {  	v17 =	vadd.f32 v60, v11;
	_ =	sdelay $0x1  }
0xda: {  	v61 =	vbroadcast v13, $0x6;
	v16 =	vmul.f32 v16, v17;
	_ =	sdelay $0x1  }
0xdb: {  	v62 =	vor.u32 v0, v61;
	s5 =	spop (v2sf);
	[tilespmem:s6+$0x6B0] =	vst v16  }
0xdc: {  	[tilespmem:s20], [sflag:$0x6] =	stream.strided.gather [hbm4b:s5+s13], $0x2000, s14, s13, $0x38;
	[tilespmem:$0x18500] =	vst v63  }
0xdd: {  	_ =	swait.ge [sflag:s30], $0x2000  }
0xde: {  	[sflag:s30] =	ssyncset.done $0x0  }
0xdf: {  	v63 =	vbroadcast v12, $0x6;
	[sflag:s30] =	ssyncadd.s32 $0xFFFFE000  }
0xe0: {  	v16 =	vld.idx.msk [tilespmem:v62+s21+$0x0], $0xffff  }
0xe1: {  	v23 =	vmul.f32 v63, v4;
	_ =	sdelay $0x1  }
0xe2: {  	v24 =	vor.u32 v1, v61;
	v19 =	vadd.f32 v23, v8;
	_ =	sdelay $0x1  }
0xe3: {  	v16 =	vmul.f32 v16, v19;
	_ =	sdelay $0x1  }
0xe4: {  	[tilespmem:s6+$0x700] =	vst v16  }
0xe5: {  	v16 =	vld.idx.msk [tilespmem:v24+s21+$0x0], $0xffff  }
0xe6: {  	v25 =	vmul.f32 v63, v5;
	_ =	sdelay $0x1  }
0xe7: {  	v26 =	vor.u32 v2, v61;
	v19 =	vadd.f32 v25, v9;
	_ =	sdelay $0x1  }
0xe8: {  	v16 =	vmul.f32 v16, v19;
	_ =	sdelay $0x1  }
0xe9: {  	[tilespmem:s6+$0x710] =	vst v16  }
0xea: {  	(v2sf) =	vpush v15, $0xE;
	v16 =	vld.idx.msk [tilespmem:v26+s21+$0x0], $0xffff  }
0xeb: {  	v27 =	vmul.f32 v63, v6;
	_ =	sdelay $0x1  }
0xec: {  	v17 =	vor.u32 v3, v61;
	v19 =	vadd.f32 v27, v10;
	_ =	sdelay $0x1  }
0xed: {  	v16 =	vmul.f32 v16, v19;
	_ =	sdelay $0x1  }
0xee: {  	[tilespmem:s6+$0x720] =	vst v16  }
0xef: {  	v16 =	vld.idx.msk [tilespmem:v17+s21+$0x0], $0xffff  }
0xf0: {  	v28 =	vmul.f32 v63, v7;
	_ =	sdelay $0x1  }
0xf1: {  	v17 =	vadd.f32 v28, v11;
	_ =	sdelay $0x1  }
0xf2: {  	v29 =	vbroadcast v13, $0x7;
	v16 =	vmul.f32 v16, v17;
	_ =	sdelay $0x1  }
0xf3: {  	v30 =	vor.u32 v0, v29;
	s1 =	spop (v2sf);
	[tilespmem:s6+$0x730] =	vst v16  }
0xf4: {  	[tilespmem:s21], [sflag:$0x7] =	stream.strided.gather [hbm4b:s1+s13], $0x2000, s14, s13, $0x38;
	[tilespmem:$0x18500] =	vst v63  }
0xf5: {  	_ =	swait.ge [sflag:s31], $0x2000  }
0xf6: {  	[sflag:s31] =	ssyncset.done $0x0  }
0xf7: {  	v31 =	vbroadcast v12, $0x7;
	[sflag:s31] =	ssyncadd.s32 $0xFFFFE000  }
0xf8: {  	v16 =	vld.idx.msk [tilespmem:v30+s22+$0x0], $0xffff  }
0xf9: {  	v32 =	vmul.f32 v31, v4;
	_ =	sdelay $0x1  }
0xfa: {  	v33 =	vor.u32 v1, v29;
	v19 =	vadd.f32 v32, v8;
	_ =	sdelay $0x1  }
0xfb: {  	v16 =	vmul.f32 v16, v19;
	_ =	sdelay $0x1  }
0xfc: {  	[tilespmem:s6+$0x780] =	vst v16  }
0xfd: {  	v16 =	vld.idx.msk [tilespmem:v33+s22+$0x0], $0xffff  }
0xfe: {  	v34 =	vmul.f32 v31, v5;
	_ =	sdelay $0x1  }
0xff: {  	v35 =	vor.u32 v2, v29;
	v19 =	vadd.f32 v34, v9;
	_ =	sdelay $0x1  }
0x100: {  	v16 =	vmul.f32 v16, v19;
	_ =	sdelay $0x1  }
0x101: {  	[tilespmem:s6+$0x790] =	vst v16  }
0x102: {  	(v2sf) =	vpush v15, $0xF;
	v16 =	vld.idx.msk [tilespmem:v35+s22+$0x0], $0xffff  }
0x103: {  	v36 =	vmul.f32 v31, v6;
	_ =	sdelay $0x1  }
0x104: {  	v17 =	vor.u32 v3, v29;
	v15 =	vadd.f32 v36, v10;
	_ =	sdelay $0x1  }
0x105: {  	v15 =	vmul.f32 v16, v15;
	_ =	sdelay $0x1  }
0x106: {  	[tilespmem:s6+$0x7A0] =	vst v15  }
0x107: {  	v15 =	vld.idx.msk [tilespmem:v17+s22+$0x0], $0xffff  }
0x108: {  	v37 =	vmul.f32 v31, v7;
	_ =	sdelay $0x1  }
0x109: {  	v16 =	vadd.f32 v37, v11;
	_ =	sdelay $0x1  }
0x10a: {  	v38 =	vbroadcast v13, $0x8;
	v15 =	vmul.f32 v15, v16;
	_ =	sdelay $0x1  }
0x10b: {  	v39 =	vor.u32 v0, v38;
	s5 =	spop (v2sf);
	[tilespmem:s6+$0x7B0] =	vst v15  }
0x10c: {  	[tilespmem:s22], [sflag:$0x8] =	stream.strided.gather [hbm4b:s5+s13], $0x2000, s14, s13, $0x38;
	[tilespmem:$0x18500] =	vst v63  }
0x10d: {  	_ =	swait.ge [sflag:s23], $0x2000  }
0x10e: {  	[sflag:s23] =	ssyncset.done $0x0  }
0x10f: {  	v40 =	vbroadcast v12, $0x8;
	[sflag:s23] =	ssyncadd.s32 $0xFFFFE000  }
0x110: {  	v15 =	vld.idx.msk [tilespmem:v39+s15+$0x0], $0xffff  }
0x111: {  	v41 =	vmul.f32 v40, v4;
	_ =	sdelay $0x1  }
0x112: {  	v18 =	vadd.f32 v41, v8;
	v42 =	vor.u32 v1, v38;
	_ =	sdelay $0x1  }
0x113: {  	v15 =	vmul.f32 v15, v18;
	_ =	sdelay $0x1  }
0x114: {  	[tilespmem:s6+$0x800] =	vst v15  }
0x115: {  	v15 =	vld.idx.msk [tilespmem:v42+s15+$0x0], $0xffff  }
0x116: {  	v43 =	vmul.f32 v40, v5;
	_ =	sdelay $0x1  }
0x117: {  	v44 =	vor.u32 v2, v38;
	v18 =	vadd.f32 v43, v9;
	_ =	sdelay $0x1  }
0x118: {  	v15 =	vmul.f32 v15, v18  }
0x119: {  	p0 =	seq.s32 s11, $0x1F;
	v14 =	vand.u32 $0xFFFFFF80, v14  }
0x11a: {  	(v2sf) =	vpush @!p0 v14, $0x0;
	[tilespmem:s6+$0x810] =	vst v15  }
0x11b: {  	v15 =	vld.idx.msk [tilespmem:v44+s15+$0x0], $0xffff  }
0x11c: {  	v45 =	vmul.f32 v40, v6;
	_ =	sdelay $0x1  }
0x11d: {  	v16 =	vor.u32 v3, v38;
	v18 =	vadd.f32 v45, v10;
	_ =	sdelay $0x1  }
0x11e: {  	v15 =	vmul.f32 v15, v18;
	_ =	sdelay $0x1  }
0x11f: {  	[tilespmem:s6+$0x820] =	vst v15  }
0x120: {  	v15 =	vld.idx.msk [tilespmem:v16+s15+$0x0], $0xffff  }
0x121: {  	v46 =	vmul.f32 v40, v7;
	_ =	sdelay $0x1  }
0x122: {  	v16 =	vadd.f32 v46, v11;
	_ =	sdelay $0x1  }
0x123: {  	v47 =	vbroadcast v13, $0x9;
	v15 =	vmul.f32 v15, v16  }
0x124: {  	s11 =	simm.s32 @!p0 $0x400;
	s9 =	spop @!p0 (v2sf)  }
0x125: {  	v48 =	vor.u32 v0, v47;
	s5 =	simm.s32 @!p0 $0x8500;
	s1 =	sadd.s32 @!p0 s0, s9;
	s9 =	simm.s32 @!p0 $0x7A1400;
	[tilespmem:s6+$0x830] =	vst v15  }
0x126: {  	[tilespmem:s5], [sflag:$0x1] =	stream.strided.gather @!p0 [hbm4b:s1+s11], $0x2000, s9, s11, $0x38;
	[tilespmem:$0x18500] =	vst v63  }
0x127: {  	_ =	swait.ge [sflag:s24], $0x2000  }
0x128: {  	[sflag:s24] =	ssyncset.done $0x0  }
0x129: {  	v49 =	vbroadcast v12, $0x9;
	[sflag:s24] =	ssyncadd.s32 $0xFFFFE000  }
0x12a: {  	v15 =	vld.idx.msk [tilespmem:v48+s16+$0x0], $0xffff  }
0x12b: {  	v50 =	vmul.f32 v49, v4;
	_ =	sdelay $0x1  }
0x12c: {  	v51 =	vor.u32 v1, v47;
	v18 =	vadd.f32 v50, v8;
	_ =	sdelay $0x1  }
0x12d: {  	v15 =	vmul.f32 v15, v18;
	_ =	sdelay $0x1  }
0x12e: {  	[tilespmem:s6+$0x880] =	vst v15  }
0x12f: {  	v15 =	vld.idx.msk [tilespmem:v51+s16+$0x0], $0xffff  }
0x130: {  	v52 =	vmul.f32 v49, v5;
	_ =	sdelay $0x1  }
0x131: {  	v53 =	vor.u32 v2, v47;
	v18 =	vadd.f32 v52, v9;
	_ =	sdelay $0x1  }
0x132: {  	v15 =	vmul.f32 v15, v18;
	_ =	sdelay $0x1  }
0x133: {  	(v2sf) =	vpush @!p0 v14, $0x1;
	[tilespmem:s6+$0x890] =	vst v15  }
0x134: {  	v15 =	vld.idx.msk [tilespmem:v53+s16+$0x0], $0xffff  }
0x135: {  	v54 =	vmul.f32 v49, v6;
	_ =	sdelay $0x1  }
0x136: {  	v16 =	vor.u32 v3, v47;
	v18 =	vadd.f32 v54, v10;
	_ =	sdelay $0x1  }
0x137: {  	v15 =	vmul.f32 v15, v18;
	_ =	sdelay $0x1  }
0x138: {  	[tilespmem:s6+$0x8A0] =	vst v15  }
0x139: {  	v15 =	vld.idx.msk [tilespmem:v16+s16+$0x0], $0xffff  }
0x13a: {  	v55 =	vmul.f32 v49, v7;
	_ =	sdelay $0x1  }
0x13b: {  	v16 =	vadd.f32 v55, v11;
	_ =	sdelay $0x1  }
0x13c: {  	v56 =	vbroadcast v13, $0xA;
	v15 =	vmul.f32 v15, v16  }
0x13d: {  	s1 =	spop @!p0 (v2sf)  }
0x13e: {  	v57 =	vor.u32 v0, v56;
	s5 =	simm.s32 @!p0 $0xA500;
	s1 =	sadd.s32 @!p0 s0, s1;
	[tilespmem:s6+$0x8B0] =	vst v15  }
0x13f: {  	[tilespmem:s5], [sflag:$0x2] =	stream.strided.gather @!p0 [hbm4b:s1+s11], $0x2000, s9, s11, $0x38;
	[tilespmem:$0x18500] =	vst v63  }
0x140: {  	_ =	swait.ge [sflag:s25], $0x2000  }
0x141: {  	[sflag:s25] =	ssyncset.done $0x0  }
0x142: {  	v58 =	vbroadcast v12, $0xA;
	[sflag:s25] =	ssyncadd.s32 $0xFFFFE000  }
0x143: {  	v15 =	vld.idx.msk [tilespmem:v57+s17+$0x0], $0xffff  }
0x144: {  	v59 =	vmul.f32 v58, v4;
	_ =	sdelay $0x1  }
0x145: {  	v60 =	vor.u32 v1, v56;
	v18 =	vadd.f32 v59, v8;
	_ =	sdelay $0x1  }
0x146: {  	v15 =	vmul.f32 v15, v18;
	_ =	sdelay $0x1  }
0x147: {  	[tilespmem:s6+$0x900] =	vst v15  }
0x148: {  	v15 =	vld.idx.msk [tilespmem:v60+s17+$0x0], $0xffff  }
0x149: {  	v61 =	vmul.f32 v58, v5;
	_ =	sdelay $0x1  }
0x14a: {  	v62 =	vor.u32 v2, v56;
	v18 =	vadd.f32 v61, v9;
	_ =	sdelay $0x1  }
0x14b: {  	v15 =	vmul.f32 v15, v18;
	_ =	sdelay $0x1  }
0x14c: {  	(v2sf) =	vpush @!p0 v14, $0x2;
	[tilespmem:s6+$0x910] =	vst v15  }
0x14d: {  	v15 =	vld.idx.msk [tilespmem:v62+s17+$0x0], $0xffff  }
0x14e: {  	v63 =	vmul.f32 v58, v6;
	_ =	sdelay $0x1  }
0x14f: {  	v16 =	vor.u32 v3, v56;
	v18 =	vadd.f32 v63, v10;
	_ =	sdelay $0x1  }
0x150: {  	v15 =	vmul.f32 v15, v18;
	_ =	sdelay $0x1  }
0x151: {  	[tilespmem:s6+$0x920] =	vst v15  }
0x152: {  	v15 =	vld.idx.msk [tilespmem:v16+s17+$0x0], $0xffff  }
0x153: {  	v20 =	vmul.f32 v58, v7;
	_ =	sdelay $0x1  }
0x154: {  	v16 =	vadd.f32 v20, v11;
	_ =	sdelay $0x1  }
0x155: {  	v21 =	vbroadcast v13, $0xB;
	v15 =	vmul.f32 v15, v16  }
0x156: {  	s1 =	spop @!p0 (v2sf)  }
0x157: {  	v22 =	vor.u32 v0, v21;
	s5 =	simm.s32 @!p0 $0xC500;
	s1 =	sadd.s32 @!p0 s0, s1;
	[tilespmem:s6+$0x930] =	vst v15  }
0x158: {  	[tilespmem:s5], [sflag:$0x3] =	stream.strided.gather @!p0 [hbm4b:s1+s11], $0x2000, s9, s11, $0x38;
	[tilespmem:$0x18500] =	vst v63  }
0x159: {  	_ =	swait.ge [sflag:s26], $0x2000  }
0x15a: {  	[sflag:s26] =	ssyncset.done $0x0  }
0x15b: {  	v23 =	vbroadcast v12, $0xB;
	[sflag:s26] =	ssyncadd.s32 $0xFFFFE000  }
0x15c: {  	v15 =	vld.idx.msk [tilespmem:v22+s18+$0x0], $0xffff  }
0x15d: {  	v24 =	vmul.f32 v23, v4;
	_ =	sdelay $0x1  }
0x15e: {  	v25 =	vor.u32 v1, v21;
	v18 =	vadd.f32 v24, v8;
	_ =	sdelay $0x1  }
0x15f: {  	v15 =	vmul.f32 v15, v18;
	_ =	sdelay $0x1  }
0x160: {  	[tilespmem:s6+$0x980] =	vst v15  }
0x161: {  	v15 =	vld.idx.msk [tilespmem:v25+s18+$0x0], $0xffff  }
0x162: {  	v26 =	vmul.f32 v23, v5;
	_ =	sdelay $0x1  }
0x163: {  	v27 =	vor.u32 v2, v21;
	v18 =	vadd.f32 v26, v9;
	_ =	sdelay $0x1  }
0x164: {  	v15 =	vmul.f32 v15, v18;
	_ =	sdelay $0x1  }
0x165: {  	(v2sf) =	vpush @!p0 v14, $0x3;
	[tilespmem:s6+$0x990] =	vst v15  }
0x166: {  	v15 =	vld.idx.msk [tilespmem:v27+s18+$0x0], $0xffff  }
0x167: {  	v28 =	vmul.f32 v23, v6;
	_ =	sdelay $0x1  }
0x168: {  	v16 =	vor.u32 v3, v21;
	v18 =	vadd.f32 v28, v10;
	_ =	sdelay $0x1  }
0x169: {  	v15 =	vmul.f32 v15, v18;
	_ =	sdelay $0x1  }
0x16a: {  	[tilespmem:s6+$0x9A0] =	vst v15  }
0x16b: {  	v15 =	vld.idx.msk [tilespmem:v16+s18+$0x0], $0xffff  }
0x16c: {  	v29 =	vmul.f32 v23, v7;
	_ =	sdelay $0x1  }
0x16d: {  	v16 =	vadd.f32 v29, v11;
	_ =	sdelay $0x1  }
0x16e: {  	v30 =	vbroadcast v13, $0xC;
	v15 =	vmul.f32 v15, v16  }
0x16f: {  	s1 =	spop @!p0 (v2sf)  }
0x170: {  	v31 =	vor.u32 v0, v30;
	s5 =	simm.s32 @!p0 $0xE500;
	s1 =	sadd.s32 @!p0 s0, s1;
	[tilespmem:s6+$0x9B0] =	vst v15  }
0x171: {  	[tilespmem:s5], [sflag:$0x4] =	stream.strided.gather @!p0 [hbm4b:s1+s11], $0x2000, s9, s11, $0x38;
	[tilespmem:$0x18500] =	vst v63  }
0x172: {  	_ =	swait.ge [sflag:s28], $0x2000  }
0x173: {  	[sflag:s28] =	ssyncset.done $0x0  }
0x174: {  	v32 =	vbroadcast v12, $0xC;
	[sflag:s28] =	ssyncadd.s32 $0xFFFFE000  }
0x175: {  	v15 =	vld.idx.msk [tilespmem:v31+s19+$0x0], $0xffff  }
0x176: {  	v33 =	vmul.f32 v32, v4;
	_ =	sdelay $0x1  }
0x177: {  	v34 =	vor.u32 v1, v30;
	v18 =	vadd.f32 v33, v8;
	_ =	sdelay $0x1  }
0x178: {  	v15 =	vmul.f32 v15, v18;
	_ =	sdelay $0x1  }
0x179: {  	[tilespmem:s6+$0xA00] =	vst v15  }
0x17a: {  	v15 =	vld.idx.msk [tilespmem:v34+s19+$0x0], $0xffff  }
0x17b: {  	v35 =	vmul.f32 v32, v5;
	_ =	sdelay $0x1  }
0x17c: {  	v36 =	vor.u32 v2, v30;
	v18 =	vadd.f32 v35, v9;
	_ =	sdelay $0x1  }
0x17d: {  	v15 =	vmul.f32 v15, v18;
	_ =	sdelay $0x1  }
0x17e: {  	(v2sf) =	vpush @!p0 v14, $0x4;
	[tilespmem:s6+$0xA10] =	vst v15  }
0x17f: {  	v15 =	vld.idx.msk [tilespmem:v36+s19+$0x0], $0xffff  }
0x180: {  	v37 =	vmul.f32 v32, v6;
	_ =	sdelay $0x1  }
0x181: {  	v16 =	vor.u32 v3, v30;
	v18 =	vadd.f32 v37, v10;
	_ =	sdelay $0x1  }
0x182: {  	v15 =	vmul.f32 v15, v18;
	_ =	sdelay $0x1  }
0x183: {  	[tilespmem:s6+$0xA20] =	vst v15  }
0x184: {  	v15 =	vld.idx.msk [tilespmem:v16+s19+$0x0], $0xffff  }
0x185: {  	v38 =	vmul.f32 v32, v7;
	_ =	sdelay $0x1  }
0x186: {  	v16 =	vadd.f32 v38, v11;
	_ =	sdelay $0x1  }
0x187: {  	v39 =	vbroadcast v13, $0xD;
	v15 =	vmul.f32 v15, v16  }
0x188: {  	s1 =	spop @!p0 (v2sf)  }
0x189: {  	v40 =	vor.u32 v0, v39;
	s5 =	simm.s32 @!p0 $0x10500;
	s1 =	sadd.s32 @!p0 s0, s1;
	[tilespmem:s6+$0xA30] =	vst v15  }
0x18a: {  	[tilespmem:s5], [sflag:$0x5] =	stream.strided.gather @!p0 [hbm4b:s1+s11], $0x2000, s9, s11, $0x38;
	[tilespmem:$0x18500] =	vst v63  }
0x18b: {  	_ =	swait.ge [sflag:s29], $0x2000  }
0x18c: {  	[sflag:s29] =	ssyncset.done $0x0  }
0x18d: {  	v41 =	vbroadcast v12, $0xD;
	[sflag:s29] =	ssyncadd.s32 $0xFFFFE000  }
0x18e: {  	v15 =	vld.idx.msk [tilespmem:v40+s20+$0x0], $0xffff  }
0x18f: {  	v42 =	vmul.f32 v41, v4;
	_ =	sdelay $0x1  }
0x190: {  	v43 =	vor.u32 v1, v39;
	v18 =	vadd.f32 v42, v8;
	_ =	sdelay $0x1  }
0x191: {  	v15 =	vmul.f32 v15, v18;
	_ =	sdelay $0x1  }
0x192: {  	[tilespmem:s6+$0xA80] =	vst v15  }
0x193: {  	v15 =	vld.idx.msk [tilespmem:v43+s20+$0x0], $0xffff  }
0x194: {  	v44 =	vmul.f32 v41, v5;
	_ =	sdelay $0x1  }
0x195: {  	v45 =	vor.u32 v2, v39;
	v18 =	vadd.f32 v44, v9;
	_ =	sdelay $0x1  }
0x196: {  	v15 =	vmul.f32 v15, v18;
	_ =	sdelay $0x1  }
0x197: {  	(v2sf) =	vpush @!p0 v14, $0x5;
	[tilespmem:s6+$0xA90] =	vst v15  }
0x198: {  	v15 =	vld.idx.msk [tilespmem:v45+s20+$0x0], $0xffff  }
0x199: {  	v46 =	vmul.f32 v41, v6;
	_ =	sdelay $0x1  }
0x19a: {  	v16 =	vor.u32 v3, v39;
	v18 =	vadd.f32 v46, v10;
	_ =	sdelay $0x1  }
0x19b: {  	v15 =	vmul.f32 v15, v18;
	_ =	sdelay $0x1  }
0x19c: {  	[tilespmem:s6+$0xAA0] =	vst v15  }
0x19d: {  	v15 =	vld.idx.msk [tilespmem:v16+s20+$0x0], $0xffff  }
0x19e: {  	v47 =	vmul.f32 v41, v7;
	_ =	sdelay $0x1  }
0x19f: {  	v16 =	vadd.f32 v47, v11;
	_ =	sdelay $0x1  }
0x1a0: {  	v48 =	vbroadcast v13, $0xE;
	v15 =	vmul.f32 v15, v16  }
0x1a1: {  	s1 =	spop @!p0 (v2sf)  }
0x1a2: {  	v49 =	vor.u32 v0, v48;
	s5 =	simm.s32 @!p0 $0x12500;
	s1 =	sadd.s32 @!p0 s0, s1;
	[tilespmem:s6+$0xAB0] =	vst v15  }
0x1a3: {  	[tilespmem:s5], [sflag:$0x6] =	stream.strided.gather @!p0 [hbm4b:s1+s11], $0x2000, s9, s11, $0x38;
	[tilespmem:$0x18500] =	vst v63  }
0x1a4: {  	_ =	swait.ge [sflag:s30], $0x2000  }
0x1a5: {  	[sflag:s30] =	ssyncset.done $0x0  }
0x1a6: {  	v50 =	vbroadcast v12, $0xE;
	[sflag:s30] =	ssyncadd.s32 $0xFFFFE000  }
0x1a7: {  	v15 =	vld.idx.msk [tilespmem:v49+s21+$0x0], $0xffff  }
0x1a8: {  	v51 =	vmul.f32 v50, v4;
	_ =	sdelay $0x1  }
0x1a9: {  	v52 =	vor.u32 v1, v48;
	v18 =	vadd.f32 v51, v8;
	_ =	sdelay $0x1  }
0x1aa: {  	v15 =	vmul.f32 v15, v18;
	_ =	sdelay $0x1  }
0x1ab: {  	[tilespmem:s6+$0xB00] =	vst v15  }
0x1ac: {  	v15 =	vld.idx.msk [tilespmem:v52+s21+$0x0], $0xffff  }
0x1ad: {  	v53 =	vmul.f32 v50, v5;
	_ =	sdelay $0x1  }
0x1ae: {  	v54 =	vor.u32 v2, v48;
	v18 =	vadd.f32 v53, v9;
	_ =	sdelay $0x1  }
0x1af: {  	v15 =	vmul.f32 v15, v18;
	_ =	sdelay $0x1  }
0x1b0: {  	(v2sf) =	vpush @!p0 v14, $0x6;
	[tilespmem:s6+$0xB10] =	vst v15  }
0x1b1: {  	v15 =	vld.idx.msk [tilespmem:v54+s21+$0x0], $0xffff  }
0x1b2: {  	v55 =	vmul.f32 v50, v6;
	_ =	sdelay $0x1  }
0x1b3: {  	v16 =	vor.u32 v3, v48;
	v18 =	vadd.f32 v55, v10;
	_ =	sdelay $0x1  }
0x1b4: {  	v15 =	vmul.f32 v15, v18;
	_ =	sdelay $0x1  }
0x1b5: {  	[tilespmem:s6+$0xB20] =	vst v15  }
0x1b6: {  	v15 =	vld.idx.msk [tilespmem:v16+s21+$0x0], $0xffff  }
0x1b7: {  	v56 =	vmul.f32 v50, v7;
	_ =	sdelay $0x1  }
0x1b8: {  	v16 =	vadd.f32 v56, v11;
	_ =	sdelay $0x1  }
0x1b9: {  	v13 =	vbroadcast v13, $0xF;
	v15 =	vmul.f32 v15, v16  }
0x1ba: {  	s1 =	spop @!p0 (v2sf)  }
0x1bb: {  	v57 =	vor.u32 v0, v13;
	s5 =	simm.s32 @!p0 $0x14500;
	s1 =	sadd.s32 @!p0 s0, s1;
	[tilespmem:s6+$0xB30] =	vst v15  }
0x1bc: {  	[tilespmem:s5], [sflag:$0x7] =	stream.strided.gather @!p0 [hbm4b:s1+s11], $0x2000, s9, s11, $0x38;
	[tilespmem:$0x18500] =	vst v63  }
0x1bd: {  	_ =	swait.ge [sflag:s31], $0x2000  }
0x1be: {  	[sflag:s31] =	ssyncset.done $0x0  }
0x1bf: {  	v12 =	vbroadcast v12, $0xF;
	[sflag:s31] =	ssyncadd.s32 $0xFFFFE000  }
0x1c0: {  	v15 =	vld.idx.msk [tilespmem:v57+s22+$0x0], $0xffff  }
0x1c1: {  	v58 =	vmul.f32 v12, v4;
	_ =	sdelay $0x1  }
0x1c2: {  	v59 =	vor.u32 v1, v13;
	v16 =	vadd.f32 v58, v8;
	_ =	sdelay $0x1  }
0x1c3: {  	v15 =	vmul.f32 v15, v16;
	_ =	sdelay $0x1  }
0x1c4: {  	[tilespmem:s6+$0xB80] =	vst v15  }
0x1c5: {  	v15 =	vld.idx.msk [tilespmem:v59+s22+$0x0], $0xffff  }
0x1c6: {  	v60 =	vmul.f32 v12, v5;
	_ =	sdelay $0x1  }
0x1c7: {  	v61 =	vor.u32 v2, v13;
	v16 =	vadd.f32 v60, v9;
	_ =	sdelay $0x1  }
0x1c8: {  	v15 =	vmul.f32 v15, v16;
	_ =	sdelay $0x1  }
0x1c9: {  	(v2sf) =	vpush @!p0 v14, $0x7;
	[tilespmem:s6+$0xB90] =	vst v15  }
0x1ca: {  	v62 =	vld.idx.msk [tilespmem:v61+s22+$0x0], $0xffff  }
0x1cb: {  	v63 =	vmul.f32 v12, v6;
	_ =	sdelay $0x1  }
0x1cc: {  	v13 =	vor.u32 v3, v13;
	v15 =	vadd.f32 v63, v10;
	_ =	sdelay $0x1  }
0x1cd: {  	v14 =	vmul.f32 v62, v15;
	_ =	sdelay $0x1  }
0x1ce: {  	[tilespmem:s6+$0xBA0] =	vst v14  }
0x1cf: {  	v13 =	vld.idx.msk [tilespmem:v13+s22+$0x0], $0xffff  }
0x1d0: {  	v12 =	vmul.f32 v12, v7;
	_ =	sdelay $0x1  }
0x1d1: {  	v12 =	vadd.f32 v12, v11;
	_ =	sdelay $0x1  }
0x1d2: {  	v12 =	vmul.f32 v13, v12  }
0x1d3: {  	s1 =	spop @!p0 (v2sf)  }
0x1d4: {  	p1 =	sne.s32 @!p0 s12, $0xF;
	s5 =	simm.s32 @!p0 $0x16500;
	s1 =	sadd.s32 @!p0 s0, s1;
	[tilespmem:s6+$0xBB0] =	vst v12  }
0x1d5: {  	[tilespmem:s5], [sflag:$0x8] =	stream.strided.gather @!p0 [hbm4b:s1+s11], $0x2000, s9, s11, $0x38;
	[tilespmem:$0x18500] =	vst v63  }
0x1d6: {  	p0 =	por p0, !p1  }
0x1d7: {  	s1 =	sand.u32 @p0 $0x1000, s2  }
0x1d8: {  	s5 =	simm.s32 @p0 $0x0;
	s1 =	sadd.s32 @p0 s1, s8  }
0x1d9: {  	[hbm4b:s1+s5] =	stream.linear.scatter @p0 [tilespmem:s13], [sflag:$0x9], $0x8000, $0x38;
	[tilespmem:$0x18500] =	vst v63  }
0x1da: {  	_ =	swait.ge @p0 [sflag:s10], $0x8000  }
0x1db: {  	[sflag:s10] =	ssyncset.done @p0 $0x0  }
0x1dc: {  	[sflag:s10] =	ssyncadd.s32 @p0 $0xFFFF8000;
	p0 =	sne.s32 s7, $0x20  }
.Ltmp0:
0x1dd: {  	_ = 	snop;
	(pc) =	sbr.rel @p0 .LBB2_2-.Ltmp0, $2  }
0x1de: {  	_ =	sdelay $0x2  }
0x1df: {  	s4 =	sadd.s32 $0x10, s4;
	s3 =	sadd.s32 $0x10, s3;
	s2 =	sadd.s32 $0x100, s2  }
0x1e0: {  	s2 =	rddreg [dreg:$0xa]  }
0x1e1: {  	s1 =	rddreg [dreg:$0x9];
	s2 =	sadd.s32 $0x1, s2  }
0x1e2: {  	p0 =	sne.s32 s2, s1  }
.Ltmp1:
0x1e3: {  	_ = 	snop;
	(pc) =	sbr.rel @p0 .LBB2_1-.Ltmp1, $1  }
0x1e4: {  	_ =	sdelay $0x3  }
0x1e5: {  	_ =	sfence.sel $0x180000  }
0x1e6: {  	[bflag:$0x0] =	sbarrier.arrive $0xFFFF  }
0x1e7: {  	_ =	strace $0x90000047  }
0x1e8: {  	s0 =	stileid.u32;
	[bflag:$0x2] =	sbarrier.arrive $0xFFFF  }
0x1e9: {  	p0 =	sne.s32 s0, $0x0;
	s0 =	rddreg [dreg:$0x6]  }
0x1ea: {  	s0 =	sadd.s32 @!p0 $0x100000, s0  }
0x1eb: {  	[sflag:s0] =	ssyncadd.tile.s32 @!p0 $0x1;
	_ =	shalt  }
.Lfunc_end2:
_tile_overlayer_lowered:
.L_overlay_start_2:
0x1ec: {  	(tag) =	ssettag $0x2  }
0x1ed: {  	s0 =	rddreg [dreg:$0x0];
	s2 =	stileid.u32  }
0x1ee: {  	s1 =	rddreg [dreg:$0x1];
	p0 =	sne.s32 s2, $0x0  }
0x1ef: {  	s3 =	rddreg [dreg:$0x2];
	[bflag:$0x3] =	sbarrier.arrive $0xFFFF;
	s2 =	simm.s32 @!p0 $0x1C09  }
0x1f0: {  	[timem:s3], [sflag:s2] =	dma.local @!p0 [hbm:s0], s1  }
0x1f1: {  	s0 =	simm.s32 @!p0 $0x9  }
0x1f2: {  	_ =	swait.ge @!p0 [sflag:s0], s1  }
0x1f3: {  	s1 =	ssub.s32 @!p0 $0x0, s1;
	[sflag:s0] =	ssyncset.done @!p0 $0x0  }
0x1f4: {  	[sflag:s0] =	ssyncadd.s32 @!p0 s1  }
0x1f5: {  	[bflag:$0x3] =	sbarrier.arrive $0xFFFF  }
0x1f6: {  	_ =	shalt  }

</sc_bundles>
